<compile_context>
chip_gen: v7x
topology: tpu7x:2x2x1
jax: 0.10.2.dev20260603
libtpu: 0.0.44.dev20260713+nightly
codegen_flags: <defaults>
</compile_context>

<pallas_src>
import jax
import jax.numpy as jnp
from jax import lax
from jax.experimental import pallas as pl
from jax.experimental.pallas import tpu as pltpu
from jax.experimental.pallas import tpu_sc as plsc

_B, _QL, _KVL, _H, _DH = 8, 32, 2048, 16, 128
_NT = 32
_TPB = _NT // _B
_CHUNK = _KVL // _TPB
_ZROWS = _QL
_NSEM = 8


def _sc_body(ci_hbm, ck_hbm, v_hbm, nv_hbm, zb, civ, vsh, sem, usem):
    c = lax.axis_index("c")
    s = lax.axis_index("s")
    wid = c * 16 + s
    b = wid // _TPB
    bl = b - 4 * c
    r0 = (wid % _TPB) * _CHUNK
    pltpu.sync_copy(ck_hbm.at[b, pl.ds(0, _ZROWS)], zb)
    pltpu.sync_copy(ci_hbm, civ)
    copies = []
    for t in range(_CHUNK // _ZROWS):
        sl = pl.ds(r0 + t * _ZROWS, _ZROWS)
        copies.append(pltpu.make_async_copy(zb, nv_hbm.at[b, sl], sem))
    for cp in copies:
        cp.start()
    @pl.when(s == 0)
    def _():
        pltpu.sync_copy(v_hbm.at[pl.ds(4 * c, 4)], vsh)
    plsc.subcore_barrier()
    for cp in copies:
        cp.wait()
    ci = pl.multiple_of(jnp.clip(civ[...][0], 0, _KVL - _QL), 8)
    fits = (ci >= r0) & (ci + _QL <= r0 + _CHUNK)

    @pl.when(fits)
    def _():
        uv = pltpu.make_async_copy(vsh.at[bl], nv_hbm.at[b, pl.ds(ci, _QL)],
                                   usem)
        uv.start()
        uv.wait()


_sc_value_update = pl.kernel(
    _sc_body,
    out_type=jax.ShapeDtypeStruct((_B, _KVL, _H, _DH), jnp.float32),
    mesh=plsc.VectorSubcoreMesh(core_axis_name="c", subcore_axis_name="s"),
    scratch_types=[pltpu.VMEM((_ZROWS, _H, _DH), jnp.float32),
                   pltpu.VMEM((16,), jnp.int32),
                   pltpu.VMEM_SHARED((_B // 2, _QL, _H, _DH), jnp.float32),
                   pltpu.SemaphoreType.DMA,
                   pltpu.SemaphoreType.DMA],
)


def _tc_key_kernel(ci_ref, k_ref, am_ref, nk_ref, m_ref, zbuf, sems, usem):
    zbuf[...] = jnp.zeros((_KVL, _H, _DH), jnp.float32)
    copies = [pltpu.make_async_copy(zbuf, nk_ref.at[b], sems.at[b % _NSEM])
              for b in range(_B)]
    for cp in copies:
        cp.start()
    ci = ci_ref[0]
    cols = lax.broadcasted_iota(jnp.int32, (_B, 1, _QL, _KVL), 3)
    m_ref[...] = am_ref[...] & (cols < ci + _QL)
    for cp in copies:
        cp.wait()
    ci_u = pl.multiple_of(jnp.clip(ci, 0, _KVL - _QL), 8)
    updates = [pltpu.make_async_copy(k_ref.at[b],
                                     nk_ref.at[b, pl.ds(ci_u, _QL)], usem)
               for b in range(_B)]
    for cp in updates:
        cp.start()
    for cp in updates:
        cp.wait()


def kernel(key, value, query_states, attention_mask, cached_key,
           cached_value, cache_index):
    ci32 = jnp.asarray(cache_index, jnp.int32)
    nv = _sc_value_update(jnp.full((16,), ci32), cached_key, value)
    nk, m = pl.pallas_call(
        _tc_key_kernel,
        in_specs=[
            pl.BlockSpec(memory_space=pltpu.MemorySpace.SMEM),
            pl.BlockSpec(memory_space=pltpu.MemorySpace.VMEM),
            pl.BlockSpec(memory_space=pltpu.MemorySpace.VMEM),
        ],
        out_specs=[
            pl.BlockSpec(memory_space=pltpu.MemorySpace.HBM),
            pl.BlockSpec(memory_space=pltpu.MemorySpace.VMEM),
        ],
        out_shape=[
            jax.ShapeDtypeStruct((_B, _KVL, _H, _DH), jnp.float32),
            jax.ShapeDtypeStruct((_B, 1, _QL, _KVL), jnp.bool_),
        ],
        scratch_shapes=[pltpu.VMEM((_KVL, _H, _DH), jnp.float32),
                        pltpu.SemaphoreType.DMA((_NSEM,)),
                        pltpu.SemaphoreType.DMA],
    )(ci32.reshape((1,)), key, attention_mask)
    return nk, nv, m

# --- scband reference (transcript-rebuilt; emitter-appended) ---
"""Pipeline reference for scband-base-jaxattention-module-15831249453521 (READ-ONLY COPY).

The authoritative reference and input builder live on the scoring server;
editing this copy changes nothing except your own understanding.
"""

import jax, jax.numpy as jnp
import numpy as np
from jax import lax

B, QL, KVL, H, DH = 8, 32, 2048, 16, 128
CACHE_INDEX = 512

def setup_inputs(seed: int = 0) -> dict:
    key = jax.random.key(seed)
    k1, k2, k3 = jax.random.split(key, 3)
    return {
        'key': jax.random.normal(k1, (B, QL, H, DH), dtype=jnp.float32),
        'value': jax.random.normal(k2, (B, QL, H, DH), dtype=jnp.float32),
        'query_states': jax.random.normal(k3, (B, QL, H, DH), dtype=jnp.float32),
        'attention_mask': jnp.ones((B, 1, QL, KVL), dtype=jnp.bool_),
        'cached_key': jnp.zeros((B, KVL, H, DH), dtype=jnp.float32),
        'cached_value': jnp.zeros((B, KVL, H, DH), dtype=jnp.float32),
        'cache_index': CACHE_INDEX,
    }

def reference(key, value, query_states, attention_mask, cached_key, cached_value, cache_index):
    # Faithful translation of BaseJAXAttentionModule._concatenate_to_cache
    # (non-sharded branch; use_sharded_kv_caching=False).
    batch_dims = cached_key.shape[:-3]
    max_length = cached_key.shape[-3]
    cur_index = jnp.asarray(cache_index, dtype=jnp.int32)
    zero = jnp.zeros((), dtype=jnp.int32)
    indices = (zero,) * len(batch_dims) + (cur_index, zero, zero)
    new_key = lax.dynamic_update_slice(cached_key, key, indices)
    new_value = lax.dynamic_update_slice(cached_value, value, indices)
    num_updated_cache_vectors = query_states.shape[1]
    pad_mask = jnp.broadcast_to(
        jnp.arange(max_length) < cur_index + num_updated_cache_vectors,
        tuple(batch_dims) + (1, num_updated_cache_vectors, max_length),
    )
    # flax.linen.combine_masks == elementwise AND of broadcast masks
    combined_mask = jnp.logical_and(pad_mask, attention_mask)
    return (new_key, new_value, combined_mask)

if __name__ == "__main__":
    import jax
    _d = setup_inputs()
    print(jax.jit(kernel)(*tuple(_d.values())))

</pallas_src>

<mosaic_0001>
#map = affine_map<(d0, d1) -> (0)>
#map1 = affine_map<(d0, d1) -> (0, 0, 0, 0)>
module attributes {stable_mosaic.version = 14 : i64} {
  func.func @_sc_body(%arg0: i32, %arg1: i32, %arg2: memref<16xi32, #tpu.memory_space<hbm>>, %arg3: memref<8x2048x16x128xf32, #tpu.memory_space<hbm>>, %arg4: memref<8x32x16x128xf32, #tpu.memory_space<hbm>>, %arg5: memref<8x2048x16x128xf32, #tpu.memory_space<hbm>>, %arg6: memref<32x16x128xf32, #tpu.memory_space<vmem>>, %arg7: memref<16xi32, #tpu.memory_space<vmem>>, %arg8: memref<4x32x16x128xf32, #tpu.memory_space<vmem_shared>>, %arg9: memref<!tpu.dma_semaphore, #tpu.memory_space<semaphore_mem>>, %arg10: memref<!tpu.dma_semaphore, #tpu.memory_space<semaphore_mem>>) attributes {dimension_semantics = [#tpu.dimension_semantics<core_parallel>, #tpu.dimension_semantics<subcore_parallel>], iteration_bounds = array<i64: 2, 16>, scalar_prefetch = 0 : i64, scratch_operands = 5 : i64, tpu.core_type = #tpu.core_type<sc_vector_subcore>, window_params = [{transform_indices = #map}, {transform_indices = #map1}, {transform_indices = #map1}, {transform_indices = #map1}]} {
    %mul3A = arith.constant 16 : i32
    %mul3A_0 = arith.muli %arg0, %mul3A : i32
    %add3A = arith.addi %mul3A_0, %arg1 : i32
    %jit3A = arith.constant 4 : i32
    %div3A = arith.divsi %add3A, %jit3A : i32
    %sign3A = arith.constant 0 : i32
    %sign3A_1 = arith.cmpi sgt, %add3A, %sign3A : i32
    %sign3A_2 = arith.extui %sign3A_1 : i1 to i32
    %sign3A_3 = arith.constant 0 : i32
    %sign3A_4 = arith.cmpi slt, %add3A, %sign3A_3 : i32
    %sign3A_5 = arith.extui %sign3A_4 : i1 to i32
    %sign3A_6 = arith.subi %sign3A_2, %sign3A_5 : i32
    %sign3A_7 = arith.constant 0 : i32
    %sign3A_8 = arith.cmpi sgt, %jit3A, %sign3A_7 : i32
    %sign3A_9 = arith.extui %sign3A_8 : i1 to i32
    %sign3A_10 = arith.constant 0 : i32
    %sign3A_11 = arith.cmpi slt, %jit3A, %sign3A_10 : i32
    %sign3A_12 = arith.extui %sign3A_11 : i1 to i32
    %sign3A_13 = arith.subi %sign3A_9, %sign3A_12 : i32
    %ne3A = arith.cmpi ne, %sign3A_6, %sign3A_13 : i32
    %rem3A = arith.remsi %add3A, %jit3A : i32
    %ne3A_14 = arith.constant 0 : i32
    %ne3A_15 = arith.cmpi ne, %rem3A, %ne3A_14 : i32
    %and3A = arith.andi %ne3A, %ne3A_15 : i1
    %sub3A = arith.constant 1 : i32
    %sub3A_16 = arith.subi %div3A, %sub3A : i32
    %select_n3A = arith.select %and3A, %sub3A_16, %div3A : i32
    %mul3A_17 = arith.constant 4 : i32
    %mul3A_18 = arith.muli %mul3A_17, %arg0 : i32
    %sub3A_19 = arith.subi %select_n3A, %mul3A_18 : i32
    %jit3A_20 = arith.constant 4 : i32
    %eq3A = arith.constant 0 : i32
    %eq3A_21 = arith.cmpi eq, %jit3A_20, %eq3A : i32
    %jit3A_22 = arith.constant 1 : i32
    %select_n3A_23 = arith.select %eq3A_21, %jit3A_22, %jit3A_20 : i32
    %rem3A_24 = arith.remsi %add3A, %select_n3A_23 : i32
    %ne3A_25 = arith.constant 0 : i32
    %ne3A_26 = arith.cmpi ne, %rem3A_24, %ne3A_25 : i32
    %lt3A = arith.constant 0 : i32
    %lt3A_27 = arith.cmpi slt, %rem3A_24, %lt3A : i32
    %lt3A_28 = arith.constant 0 : i32
    %lt3A_29 = arith.cmpi slt, %select_n3A_23, %lt3A_28 : i32
    %ne3A_30 = arith.xori %lt3A_27, %lt3A_29 : i1
    %and3A_31 = arith.andi %ne3A_30, %ne3A_26 : i1
    %add3A_32 = arith.addi %rem3A_24, %select_n3A_23 : i32
    %select_n3A_33 = arith.select %and3A_31, %add3A_32, %rem3A_24 : i32
    %mul3A_34 = arith.constant 512 : i32
    %mul3A_35 = arith.muli %select_n3A_33, %mul3A_34 : i32
    "tpu.region"() ({
      %run_scoped3A = tpu.sem_alloc : memref<!tpu.dma_semaphore, #tpu.memory_space<semaphore_mem>>
      %dma_start3A_337 = arith.constant 0 : i32
      %dma_start3A_338 = arith.constant 0 : i32
      %dma_start3A_339 = arith.constant 0 : i32
      %dma_start3A_340 = tpu.memref_slice %arg3[%select_n3A, %dma_start3A_337, %dma_start3A_338, %dma_start3A_339] : memref<8x2048x16x128xf32, #tpu.memory_space<hbm>> -> memref<1x32x16x128xf32, #tpu.memory_space<hbm>>
      %dma_start3A_341 = tpu.memref_squeeze %dma_start3A_340 : memref<1x32x16x128xf32, #tpu.memory_space<hbm>> -> memref<32x16x128xf32, #tpu.memory_space<hbm>>
      %dma_start3A_342 = arith.constant 0 : i32
      %dma_start3A_343 = arith.constant 0 : i32
      %dma_start3A_344 = arith.constant 0 : i32
      %dma_start3A_345 = tpu.memref_slice %arg3[%select_n3A, %dma_start3A_342, %dma_start3A_343, %dma_start3A_344] : memref<8x2048x16x128xf32, #tpu.memory_space<hbm>> -> memref<1x32x16x128xf32, #tpu.memory_space<hbm>>
      %dma_start3A_346 = tpu.memref_squeeze %dma_start3A_345 : memref<1x32x16x128xf32, #tpu.memory_space<hbm>> -> memref<32x16x128xf32, #tpu.memory_space<hbm>>
      tpu.enqueue_dma source(%dma_start3A_346 : memref<32x16x128xf32, #tpu.memory_space<hbm>>) target(%arg6 : memref<32x16x128xf32, #tpu.memory_space<vmem>>) target_semaphore(%run_scoped3A : memref<!tpu.dma_semaphore, #tpu.memory_space<semaphore_mem>>)
      %dma_wait3A_347 = arith.constant 0 : i32
      %dma_wait3A_348 = arith.constant 0 : i32
      %dma_wait3A_349 = arith.constant 0 : i32
      %dma_wait3A_350 = tpu.memref_slice %arg3[%select_n3A, %dma_wait3A_347, %dma_wait3A_348, %dma_wait3A_349] : memref<8x2048x16x128xf32, #tpu.memory_space<hbm>> -> memref<1x32x16x128xf32, #tpu.memory_space<hbm>>
      %dma_wait3A_351 = tpu.memref_squeeze %dma_wait3A_350 : memref<1x32x16x128xf32, #tpu.memory_space<hbm>> -> memref<32x16x128xf32, #tpu.memory_space<hbm>>
      %dma_wait3A_352 = arith.constant 0 : i32
      %dma_wait3A_353 = arith.constant 0 : i32
      %dma_wait3A_354 = arith.constant 0 : i32
      %dma_wait3A_355 = tpu.memref_slice %arg3[%select_n3A, %dma_wait3A_352, %dma_wait3A_353, %dma_wait3A_354] : memref<8x2048x16x128xf32, #tpu.memory_space<hbm>> -> memref<1x32x16x128xf32, #tpu.memory_space<hbm>>
      %dma_wait3A_356 = tpu.memref_squeeze %dma_wait3A_355 : memref<1x32x16x128xf32, #tpu.memory_space<hbm>> -> memref<32x16x128xf32, #tpu.memory_space<hbm>>
      tpu.wait_dma2 semaphore(%run_scoped3A : memref<!tpu.dma_semaphore, #tpu.memory_space<semaphore_mem>>) src(%dma_wait3A_356 : memref<32x16x128xf32, #tpu.memory_space<hbm>>) dst(%arg6 : memref<32x16x128xf32, #tpu.memory_space<vmem>>)
      tpu.yield
    }) : () -> ()
    "tpu.region"() ({
      %run_scoped3A = tpu.sem_alloc : memref<!tpu.dma_semaphore, #tpu.memory_space<semaphore_mem>>
      tpu.enqueue_dma source(%arg2 : memref<16xi32, #tpu.memory_space<hbm>>) target(%arg7 : memref<16xi32, #tpu.memory_space<vmem>>) target_semaphore(%run_scoped3A : memref<!tpu.dma_semaphore, #tpu.memory_space<semaphore_mem>>)
      tpu.wait_dma2 semaphore(%run_scoped3A : memref<!tpu.dma_semaphore, #tpu.memory_space<semaphore_mem>>) src(%arg2 : memref<16xi32, #tpu.memory_space<hbm>>) dst(%arg7 : memref<16xi32, #tpu.memory_space<vmem>>)
      tpu.yield
    }) : () -> ()
    %add3A_36 = arith.constant 0 : i32
    %add3A_37 = arith.addi %mul3A_35, %add3A_36 : i32
    %add3A_38 = arith.constant 32 : i32
    %add3A_39 = arith.addi %mul3A_35, %add3A_38 : i32
    %add3A_40 = arith.constant 64 : i32
    %add3A_41 = arith.addi %mul3A_35, %add3A_40 : i32
    %add3A_42 = arith.constant 96 : i32
    %add3A_43 = arith.addi %mul3A_35, %add3A_42 : i32
    %add3A_44 = arith.constant 128 : i32
    %add3A_45 = arith.addi %mul3A_35, %add3A_44 : i32
    %add3A_46 = arith.constant 160 : i32
    %add3A_47 = arith.addi %mul3A_35, %add3A_46 : i32
    %add3A_48 = arith.constant 192 : i32
    %add3A_49 = arith.addi %mul3A_35, %add3A_48 : i32
    %add3A_50 = arith.constant 224 : i32
    %add3A_51 = arith.addi %mul3A_35, %add3A_50 : i32
    %add3A_52 = arith.constant 256 : i32
    %add3A_53 = arith.addi %mul3A_35, %add3A_52 : i32
    %add3A_54 = arith.constant 288 : i32
    %add3A_55 = arith.addi %mul3A_35, %add3A_54 : i32
    %add3A_56 = arith.constant 320 : i32
    %add3A_57 = arith.addi %mul3A_35, %add3A_56 : i32
    %add3A_58 = arith.constant 352 : i32
    %add3A_59 = arith.addi %mul3A_35, %add3A_58 : i32
    %add3A_60 = arith.constant 384 : i32
    %add3A_61 = arith.addi %mul3A_35, %add3A_60 : i32
    %add3A_62 = arith.constant 416 : i32
    %add3A_63 = arith.addi %mul3A_35, %add3A_62 : i32
    %add3A_64 = arith.constant 448 : i32
    %add3A_65 = arith.addi %mul3A_35, %add3A_64 : i32
    %add3A_66 = arith.constant 480 : i32
    %add3A_67 = arith.addi %mul3A_35, %add3A_66 : i32
    %dma_start3A = arith.constant 0 : i32
    %dma_start3A_68 = arith.constant 0 : i32
    %dma_start3A_69 = tpu.memref_slice %arg5[%select_n3A, %add3A_37, %dma_start3A, %dma_start3A_68] : memref<8x2048x16x128xf32, #tpu.memory_space<hbm>> -> memref<1x32x16x128xf32, #tpu.memory_space<hbm>>
    %dma_start3A_70 = tpu.memref_squeeze %dma_start3A_69 : memref<1x32x16x128xf32, #tpu.memory_space<hbm>> -> memref<32x16x128xf32, #tpu.memory_space<hbm>>
    %dma_start3A_71 = arith.constant 0 : i32
    %dma_start3A_72 = arith.constant 0 : i32
    %dma_start3A_73 = tpu.memref_slice %arg5[%select_n3A, %add3A_37, %dma_start3A_71, %dma_start3A_72] : memref<8x2048x16x128xf32, #tpu.memory_space<hbm>> -> memref<1x32x16x128xf32, #tpu.memory_space<hbm>>
    %dma_start3A_74 = tpu.memref_squeeze %dma_start3A_73 : memref<1x32x16x128xf32, #tpu.memory_space<hbm>> -> memref<32x16x128xf32, #tpu.memory_space<hbm>>
    tpu.enqueue_dma source(%arg6 : memref<32x16x128xf32, #tpu.memory_space<vmem>>) target(%dma_start3A_74 : memref<32x16x128xf32, #tpu.memory_space<hbm>>) target_semaphore(%arg9 : memref<!tpu.dma_semaphore, #tpu.memory_space<semaphore_mem>>)
    %dma_start3A_75 = arith.constant 0 : i32
    %dma_start3A_76 = arith.constant 0 : i32
    %dma_start3A_77 = tpu.memref_slice %arg5[%select_n3A, %add3A_39, %dma_start3A_75, %dma_start3A_76] : memref<8x2048x16x128xf32, #tpu.memory_space<hbm>> -> memref<1x32x16x128xf32, #tpu.memory_space<hbm>>
    %dma_start3A_78 = tpu.memref_squeeze %dma_start3A_77 : memref<1x32x16x128xf32, #tpu.memory_space<hbm>> -> memref<32x16x128xf32, #tpu.memory_space<hbm>>
    %dma_start3A_79 = arith.constant 0 : i32
    %dma_start3A_80 = arith.constant 0 : i32
    %dma_start3A_81 = tpu.memref_slice %arg5[%select_n3A, %add3A_39, %dma_start3A_79, %dma_start3A_80] : memref<8x2048x16x128xf32, #tpu.memory_space<hbm>> -> memref<1x32x16x128xf32, #tpu.memory_space<hbm>>
    %dma_start3A_82 = tpu.memref_squeeze %dma_start3A_81 : memref<1x32x16x128xf32, #tpu.memory_space<hbm>> -> memref<32x16x128xf32, #tpu.memory_space<hbm>>
    tpu.enqueue_dma source(%arg6 : memref<32x16x128xf32, #tpu.memory_space<vmem>>) target(%dma_start3A_82 : memref<32x16x128xf32, #tpu.memory_space<hbm>>) target_semaphore(%arg9 : memref<!tpu.dma_semaphore, #tpu.memory_space<semaphore_mem>>)
    %dma_start3A_83 = arith.constant 0 : i32
    %dma_start3A_84 = arith.constant 0 : i32
    %dma_start3A_85 = tpu.memref_slice %arg5[%select_n3A, %add3A_41, %dma_start3A_83, %dma_start3A_84] : memref<8x2048x16x128xf32, #tpu.memory_space<hbm>> -> memref<1x32x16x128xf32, #tpu.memory_space<hbm>>
    %dma_start3A_86 = tpu.memref_squeeze %dma_start3A_85 : memref<1x32x16x128xf32, #tpu.memory_space<hbm>> -> memref<32x16x128xf32, #tpu.memory_space<hbm>>
    %dma_start3A_87 = arith.constant 0 : i32
    %dma_start3A_88 = arith.constant 0 : i32
    %dma_start3A_89 = tpu.memref_slice %arg5[%select_n3A, %add3A_41, %dma_start3A_87, %dma_start3A_88] : memref<8x2048x16x128xf32, #tpu.memory_space<hbm>> -> memref<1x32x16x128xf32, #tpu.memory_space<hbm>>
    %dma_start3A_90 = tpu.memref_squeeze %dma_start3A_89 : memref<1x32x16x128xf32, #tpu.memory_space<hbm>> -> memref<32x16x128xf32, #tpu.memory_space<hbm>>
    tpu.enqueue_dma source(%arg6 : memref<32x16x128xf32, #tpu.memory_space<vmem>>) target(%dma_start3A_90 : memref<32x16x128xf32, #tpu.memory_space<hbm>>) target_semaphore(%arg9 : memref<!tpu.dma_semaphore, #tpu.memory_space<semaphore_mem>>)
    %dma_start3A_91 = arith.constant 0 : i32
    %dma_start3A_92 = arith.constant 0 : i32
    %dma_start3A_93 = tpu.memref_slice %arg5[%select_n3A, %add3A_43, %dma_start3A_91, %dma_start3A_92] : memref<8x2048x16x128xf32, #tpu.memory_space<hbm>> -> memref<1x32x16x128xf32, #tpu.memory_space<hbm>>
    %dma_start3A_94 = tpu.memref_squeeze %dma_start3A_93 : memref<1x32x16x128xf32, #tpu.memory_space<hbm>> -> memref<32x16x128xf32, #tpu.memory_space<hbm>>
    %dma_start3A_95 = arith.constant 0 : i32
    %dma_start3A_96 = arith.constant 0 : i32
    %dma_start3A_97 = tpu.memref_slice %arg5[%select_n3A, %add3A_43, %dma_start3A_95, %dma_start3A_96] : memref<8x2048x16x128xf32, #tpu.memory_space<hbm>> -> memref<1x32x16x128xf32, #tpu.memory_space<hbm>>
    %dma_start3A_98 = tpu.memref_squeeze %dma_start3A_97 : memref<1x32x16x128xf32, #tpu.memory_space<hbm>> -> memref<32x16x128xf32, #tpu.memory_space<hbm>>
    tpu.enqueue_dma source(%arg6 : memref<32x16x128xf32, #tpu.memory_space<vmem>>) target(%dma_start3A_98 : memref<32x16x128xf32, #tpu.memory_space<hbm>>) target_semaphore(%arg9 : memref<!tpu.dma_semaphore, #tpu.memory_space<semaphore_mem>>)
    %dma_start3A_99 = arith.constant 0 : i32
    %dma_start3A_100 = arith.constant 0 : i32
    %dma_start3A_101 = tpu.memref_slice %arg5[%select_n3A, %add3A_45, %dma_start3A_99, %dma_start3A_100] : memref<8x2048x16x128xf32, #tpu.memory_space<hbm>> -> memref<1x32x16x128xf32, #tpu.memory_space<hbm>>
    %dma_start3A_102 = tpu.memref_squeeze %dma_start3A_101 : memref<1x32x16x128xf32, #tpu.memory_space<hbm>> -> memref<32x16x128xf32, #tpu.memory_space<hbm>>
    %dma_start3A_103 = arith.constant 0 : i32
    %dma_start3A_104 = arith.constant 0 : i32
    %dma_start3A_105 = tpu.memref_slice %arg5[%select_n3A, %add3A_45, %dma_start3A_103, %dma_start3A_104] : memref<8x2048x16x128xf32, #tpu.memory_space<hbm>> -> memref<1x32x16x128xf32, #tpu.memory_space<hbm>>
    %dma_start3A_106 = tpu.memref_squeeze %dma_start3A_105 : memref<1x32x16x128xf32, #tpu.memory_space<hbm>> -> memref<32x16x128xf32, #tpu.memory_space<hbm>>
    tpu.enqueue_dma source(%arg6 : memref<32x16x128xf32, #tpu.memory_space<vmem>>) target(%dma_start3A_106 : memref<32x16x128xf32, #tpu.memory_space<hbm>>) target_semaphore(%arg9 : memref<!tpu.dma_semaphore, #tpu.memory_space<semaphore_mem>>)
    %dma_start3A_107 = arith.constant 0 : i32
    %dma_start3A_108 = arith.constant 0 : i32
    %dma_start3A_109 = tpu.memref_slice %arg5[%select_n3A, %add3A_47, %dma_start3A_107, %dma_start3A_108] : memref<8x2048x16x128xf32, #tpu.memory_space<hbm>> -> memref<1x32x16x128xf32, #tpu.memory_space<hbm>>
    %dma_start3A_110 = tpu.memref_squeeze %dma_start3A_109 : memref<1x32x16x128xf32, #tpu.memory_space<hbm>> -> memref<32x16x128xf32, #tpu.memory_space<hbm>>
    %dma_start3A_111 = arith.constant 0 : i32
    %dma_start3A_112 = arith.constant 0 : i32
    %dma_start3A_113 = tpu.memref_slice %arg5[%select_n3A, %add3A_47, %dma_start3A_111, %dma_start3A_112] : memref<8x2048x16x128xf32, #tpu.memory_space<hbm>> -> memref<1x32x16x128xf32, #tpu.memory_space<hbm>>
    %dma_start3A_114 = tpu.memref_squeeze %dma_start3A_113 : memref<1x32x16x128xf32, #tpu.memory_space<hbm>> -> memref<32x16x128xf32, #tpu.memory_space<hbm>>
    tpu.enqueue_dma source(%arg6 : memref<32x16x128xf32, #tpu.memory_space<vmem>>) target(%dma_start3A_114 : memref<32x16x128xf32, #tpu.memory_space<hbm>>) target_semaphore(%arg9 : memref<!tpu.dma_semaphore, #tpu.memory_space<semaphore_mem>>)
    %dma_start3A_115 = arith.constant 0 : i32
    %dma_start3A_116 = arith.constant 0 : i32
    %dma_start3A_117 = tpu.memref_slice %arg5[%select_n3A, %add3A_49, %dma_start3A_115, %dma_start3A_116] : memref<8x2048x16x128xf32, #tpu.memory_space<hbm>> -> memref<1x32x16x128xf32, #tpu.memory_space<hbm>>
    %dma_start3A_118 = tpu.memref_squeeze %dma_start3A_117 : memref<1x32x16x128xf32, #tpu.memory_space<hbm>> -> memref<32x16x128xf32, #tpu.memory_space<hbm>>
    %dma_start3A_119 = arith.constant 0 : i32
    %dma_start3A_120 = arith.constant 0 : i32
    %dma_start3A_121 = tpu.memref_slice %arg5[%select_n3A, %add3A_49, %dma_start3A_119, %dma_start3A_120] : memref<8x2048x16x128xf32, #tpu.memory_space<hbm>> -> memref<1x32x16x128xf32, #tpu.memory_space<hbm>>
    %dma_start3A_122 = tpu.memref_squeeze %dma_start3A_121 : memref<1x32x16x128xf32, #tpu.memory_space<hbm>> -> memref<32x16x128xf32, #tpu.memory_space<hbm>>
    tpu.enqueue_dma source(%arg6 : memref<32x16x128xf32, #tpu.memory_space<vmem>>) target(%dma_start3A_122 : memref<32x16x128xf32, #tpu.memory_space<hbm>>) target_semaphore(%arg9 : memref<!tpu.dma_semaphore, #tpu.memory_space<semaphore_mem>>)
    %dma_start3A_123 = arith.constant 0 : i32
    %dma_start3A_124 = arith.constant 0 : i32
    %dma_start3A_125 = tpu.memref_slice %arg5[%select_n3A, %add3A_51, %dma_start3A_123, %dma_start3A_124] : memref<8x2048x16x128xf32, #tpu.memory_space<hbm>> -> memref<1x32x16x128xf32, #tpu.memory_space<hbm>>
    %dma_start3A_126 = tpu.memref_squeeze %dma_start3A_125 : memref<1x32x16x128xf32, #tpu.memory_space<hbm>> -> memref<32x16x128xf32, #tpu.memory_space<hbm>>
    %dma_start3A_127 = arith.constant 0 : i32
    %dma_start3A_128 = arith.constant 0 : i32
    %dma_start3A_129 = tpu.memref_slice %arg5[%select_n3A, %add3A_51, %dma_start3A_127, %dma_start3A_128] : memref<8x2048x16x128xf32, #tpu.memory_space<hbm>> -> memref<1x32x16x128xf32, #tpu.memory_space<hbm>>
    %dma_start3A_130 = tpu.memref_squeeze %dma_start3A_129 : memref<1x32x16x128xf32, #tpu.memory_space<hbm>> -> memref<32x16x128xf32, #tpu.memory_space<hbm>>
    tpu.enqueue_dma source(%arg6 : memref<32x16x128xf32, #tpu.memory_space<vmem>>) target(%dma_start3A_130 : memref<32x16x128xf32, #tpu.memory_space<hbm>>) target_semaphore(%arg9 : memref<!tpu.dma_semaphore, #tpu.memory_space<semaphore_mem>>)
    %dma_start3A_131 = arith.constant 0 : i32
    %dma_start3A_132 = arith.constant 0 : i32
    %dma_start3A_133 = tpu.memref_slice %arg5[%select_n3A, %add3A_53, %dma_start3A_131, %dma_start3A_132] : memref<8x2048x16x128xf32, #tpu.memory_space<hbm>> -> memref<1x32x16x128xf32, #tpu.memory_space<hbm>>
    %dma_start3A_134 = tpu.memref_squeeze %dma_start3A_133 : memref<1x32x16x128xf32, #tpu.memory_space<hbm>> -> memref<32x16x128xf32, #tpu.memory_space<hbm>>
    %dma_start3A_135 = arith.constant 0 : i32
    %dma_start3A_136 = arith.constant 0 : i32
    %dma_start3A_137 = tpu.memref_slice %arg5[%select_n3A, %add3A_53, %dma_start3A_135, %dma_start3A_136] : memref<8x2048x16x128xf32, #tpu.memory_space<hbm>> -> memref<1x32x16x128xf32, #tpu.memory_space<hbm>>
    %dma_start3A_138 = tpu.memref_squeeze %dma_start3A_137 : memref<1x32x16x128xf32, #tpu.memory_space<hbm>> -> memref<32x16x128xf32, #tpu.memory_space<hbm>>
    tpu.enqueue_dma source(%arg6 : memref<32x16x128xf32, #tpu.memory_space<vmem>>) target(%dma_start3A_138 : memref<32x16x128xf32, #tpu.memory_space<hbm>>) target_semaphore(%arg9 : memref<!tpu.dma_semaphore, #tpu.memory_space<semaphore_mem>>)
    %dma_start3A_139 = arith.constant 0 : i32
    %dma_start3A_140 = arith.constant 0 : i32
    %dma_start3A_141 = tpu.memref_slice %arg5[%select_n3A, %add3A_55, %dma_start3A_139, %dma_start3A_140] : memref<8x2048x16x128xf32, #tpu.memory_space<hbm>> -> memref<1x32x16x128xf32, #tpu.memory_space<hbm>>
    %dma_start3A_142 = tpu.memref_squeeze %dma_start3A_141 : memref<1x32x16x128xf32, #tpu.memory_space<hbm>> -> memref<32x16x128xf32, #tpu.memory_space<hbm>>
    %dma_start3A_143 = arith.constant 0 : i32
    %dma_start3A_144 = arith.constant 0 : i32
    %dma_start3A_145 = tpu.memref_slice %arg5[%select_n3A, %add3A_55, %dma_start3A_143, %dma_start3A_144] : memref<8x2048x16x128xf32, #tpu.memory_space<hbm>> -> memref<1x32x16x128xf32, #tpu.memory_space<hbm>>
    %dma_start3A_146 = tpu.memref_squeeze %dma_start3A_145 : memref<1x32x16x128xf32, #tpu.memory_space<hbm>> -> memref<32x16x128xf32, #tpu.memory_space<hbm>>
    tpu.enqueue_dma source(%arg6 : memref<32x16x128xf32, #tpu.memory_space<vmem>>) target(%dma_start3A_146 : memref<32x16x128xf32, #tpu.memory_space<hbm>>) target_semaphore(%arg9 : memref<!tpu.dma_semaphore, #tpu.memory_space<semaphore_mem>>)
    %dma_start3A_147 = arith.constant 0 : i32
    %dma_start3A_148 = arith.constant 0 : i32
    %dma_start3A_149 = tpu.memref_slice %arg5[%select_n3A, %add3A_57, %dma_start3A_147, %dma_start3A_148] : memref<8x2048x16x128xf32, #tpu.memory_space<hbm>> -> memref<1x32x16x128xf32, #tpu.memory_space<hbm>>
    %dma_start3A_150 = tpu.memref_squeeze %dma_start3A_149 : memref<1x32x16x128xf32, #tpu.memory_space<hbm>> -> memref<32x16x128xf32, #tpu.memory_space<hbm>>
    %dma_start3A_151 = arith.constant 0 : i32
    %dma_start3A_152 = arith.constant 0 : i32
    %dma_start3A_153 = tpu.memref_slice %arg5[%select_n3A, %add3A_57, %dma_start3A_151, %dma_start3A_152] : memref<8x2048x16x128xf32, #tpu.memory_space<hbm>> -> memref<1x32x16x128xf32, #tpu.memory_space<hbm>>
    %dma_start3A_154 = tpu.memref_squeeze %dma_start3A_153 : memref<1x32x16x128xf32, #tpu.memory_space<hbm>> -> memref<32x16x128xf32, #tpu.memory_space<hbm>>
    tpu.enqueue_dma source(%arg6 : memref<32x16x128xf32, #tpu.memory_space<vmem>>) target(%dma_start3A_154 : memref<32x16x128xf32, #tpu.memory_space<hbm>>) target_semaphore(%arg9 : memref<!tpu.dma_semaphore, #tpu.memory_space<semaphore_mem>>)
    %dma_start3A_155 = arith.constant 0 : i32
    %dma_start3A_156 = arith.constant 0 : i32
    %dma_start3A_157 = tpu.memref_slice %arg5[%select_n3A, %add3A_59, %dma_start3A_155, %dma_start3A_156] : memref<8x2048x16x128xf32, #tpu.memory_space<hbm>> -> memref<1x32x16x128xf32, #tpu.memory_space<hbm>>
    %dma_start3A_158 = tpu.memref_squeeze %dma_start3A_157 : memref<1x32x16x128xf32, #tpu.memory_space<hbm>> -> memref<32x16x128xf32, #tpu.memory_space<hbm>>
    %dma_start3A_159 = arith.constant 0 : i32
    %dma_start3A_160 = arith.constant 0 : i32
    %dma_start3A_161 = tpu.memref_slice %arg5[%select_n3A, %add3A_59, %dma_start3A_159, %dma_start3A_160] : memref<8x2048x16x128xf32, #tpu.memory_space<hbm>> -> memref<1x32x16x128xf32, #tpu.memory_space<hbm>>
    %dma_start3A_162 = tpu.memref_squeeze %dma_start3A_161 : memref<1x32x16x128xf32, #tpu.memory_space<hbm>> -> memref<32x16x128xf32, #tpu.memory_space<hbm>>
    tpu.enqueue_dma source(%arg6 : memref<32x16x128xf32, #tpu.memory_space<vmem>>) target(%dma_start3A_162 : memref<32x16x128xf32, #tpu.memory_space<hbm>>) target_semaphore(%arg9 : memref<!tpu.dma_semaphore, #tpu.memory_space<semaphore_mem>>)
    %dma_start3A_163 = arith.constant 0 : i32
    %dma_start3A_164 = arith.constant 0 : i32
    %dma_start3A_165 = tpu.memref_slice %arg5[%select_n3A, %add3A_61, %dma_start3A_163, %dma_start3A_164] : memref<8x2048x16x128xf32, #tpu.memory_space<hbm>> -> memref<1x32x16x128xf32, #tpu.memory_space<hbm>>
    %dma_start3A_166 = tpu.memref_squeeze %dma_start3A_165 : memref<1x32x16x128xf32, #tpu.memory_space<hbm>> -> memref<32x16x128xf32, #tpu.memory_space<hbm>>
    %dma_start3A_167 = arith.constant 0 : i32
    %dma_start3A_168 = arith.constant 0 : i32
    %dma_start3A_169 = tpu.memref_slice %arg5[%select_n3A, %add3A_61, %dma_start3A_167, %dma_start3A_168] : memref<8x2048x16x128xf32, #tpu.memory_space<hbm>> -> memref<1x32x16x128xf32, #tpu.memory_space<hbm>>
    %dma_start3A_170 = tpu.memref_squeeze %dma_start3A_169 : memref<1x32x16x128xf32, #tpu.memory_space<hbm>> -> memref<32x16x128xf32, #tpu.memory_space<hbm>>
    tpu.enqueue_dma source(%arg6 : memref<32x16x128xf32, #tpu.memory_space<vmem>>) target(%dma_start3A_170 : memref<32x16x128xf32, #tpu.memory_space<hbm>>) target_semaphore(%arg9 : memref<!tpu.dma_semaphore, #tpu.memory_space<semaphore_mem>>)
    %dma_start3A_171 = arith.constant 0 : i32
    %dma_start3A_172 = arith.constant 0 : i32
    %dma_start3A_173 = tpu.memref_slice %arg5[%select_n3A, %add3A_63, %dma_start3A_171, %dma_start3A_172] : memref<8x2048x16x128xf32, #tpu.memory_space<hbm>> -> memref<1x32x16x128xf32, #tpu.memory_space<hbm>>
    %dma_start3A_174 = tpu.memref_squeeze %dma_start3A_173 : memref<1x32x16x128xf32, #tpu.memory_space<hbm>> -> memref<32x16x128xf32, #tpu.memory_space<hbm>>
    %dma_start3A_175 = arith.constant 0 : i32
    %dma_start3A_176 = arith.constant 0 : i32
    %dma_start3A_177 = tpu.memref_slice %arg5[%select_n3A, %add3A_63, %dma_start3A_175, %dma_start3A_176] : memref<8x2048x16x128xf32, #tpu.memory_space<hbm>> -> memref<1x32x16x128xf32, #tpu.memory_space<hbm>>
    %dma_start3A_178 = tpu.memref_squeeze %dma_start3A_177 : memref<1x32x16x128xf32, #tpu.memory_space<hbm>> -> memref<32x16x128xf32, #tpu.memory_space<hbm>>
    tpu.enqueue_dma source(%arg6 : memref<32x16x128xf32, #tpu.memory_space<vmem>>) target(%dma_start3A_178 : memref<32x16x128xf32, #tpu.memory_space<hbm>>) target_semaphore(%arg9 : memref<!tpu.dma_semaphore, #tpu.memory_space<semaphore_mem>>)
    %dma_start3A_179 = arith.constant 0 : i32
    %dma_start3A_180 = arith.constant 0 : i32
    %dma_start3A_181 = tpu.memref_slice %arg5[%select_n3A, %add3A_65, %dma_start3A_179, %dma_start3A_180] : memref<8x2048x16x128xf32, #tpu.memory_space<hbm>> -> memref<1x32x16x128xf32, #tpu.memory_space<hbm>>
    %dma_start3A_182 = tpu.memref_squeeze %dma_start3A_181 : memref<1x32x16x128xf32, #tpu.memory_space<hbm>> -> memref<32x16x128xf32, #tpu.memory_space<hbm>>
    %dma_start3A_183 = arith.constant 0 : i32
    %dma_start3A_184 = arith.constant 0 : i32
    %dma_start3A_185 = tpu.memref_slice %arg5[%select_n3A, %add3A_65, %dma_start3A_183, %dma_start3A_184] : memref<8x2048x16x128xf32, #tpu.memory_space<hbm>> -> memref<1x32x16x128xf32, #tpu.memory_space<hbm>>
    %dma_start3A_186 = tpu.memref_squeeze %dma_start3A_185 : memref<1x32x16x128xf32, #tpu.memory_space<hbm>> -> memref<32x16x128xf32, #tpu.memory_space<hbm>>
    tpu.enqueue_dma source(%arg6 : memref<32x16x128xf32, #tpu.memory_space<vmem>>) target(%dma_start3A_186 : memref<32x16x128xf32, #tpu.memory_space<hbm>>) target_semaphore(%arg9 : memref<!tpu.dma_semaphore, #tpu.memory_space<semaphore_mem>>)
    %dma_start3A_187 = arith.constant 0 : i32
    %dma_start3A_188 = arith.constant 0 : i32
    %dma_start3A_189 = tpu.memref_slice %arg5[%select_n3A, %add3A_67, %dma_start3A_187, %dma_start3A_188] : memref<8x2048x16x128xf32, #tpu.memory_space<hbm>> -> memref<1x32x16x128xf32, #tpu.memory_space<hbm>>
    %dma_start3A_190 = tpu.memref_squeeze %dma_start3A_189 : memref<1x32x16x128xf32, #tpu.memory_space<hbm>> -> memref<32x16x128xf32, #tpu.memory_space<hbm>>
    %dma_start3A_191 = arith.constant 0 : i32
    %dma_start3A_192 = arith.constant 0 : i32
    %dma_start3A_193 = tpu.memref_slice %arg5[%select_n3A, %add3A_67, %dma_start3A_191, %dma_start3A_192] : memref<8x2048x16x128xf32, #tpu.memory_space<hbm>> -> memref<1x32x16x128xf32, #tpu.memory_space<hbm>>
    %dma_start3A_194 = tpu.memref_squeeze %dma_start3A_193 : memref<1x32x16x128xf32, #tpu.memory_space<hbm>> -> memref<32x16x128xf32, #tpu.memory_space<hbm>>
    tpu.enqueue_dma source(%arg6 : memref<32x16x128xf32, #tpu.memory_space<vmem>>) target(%dma_start3A_194 : memref<32x16x128xf32, #tpu.memory_space<hbm>>) target_semaphore(%arg9 : memref<!tpu.dma_semaphore, #tpu.memory_space<semaphore_mem>>)
    %eq3A_195 = arith.constant 0 : i32
    %eq3A_196 = arith.cmpi eq, %arg1, %eq3A_195 : i32
    %convert_element_type3A = arith.extui %eq3A_196 : i1 to i32
    %cond3A = arith.constant 0 : i32
    %cond3A_197 = arith.cmpi ne, %convert_element_type3A, %cond3A : i32
    scf.if %cond3A_197 {
      %mul3A_337 = arith.constant 4 : i32
      %mul3A_338 = arith.muli %mul3A_337, %arg0 : i32
      "tpu.region"() ({
        %run_scoped3A = tpu.sem_alloc : memref<!tpu.dma_semaphore, #tpu.memory_space<semaphore_mem>>
        %dma_start3A_339 = arith.constant 0 : i32
        %dma_start3A_340 = arith.constant 0 : i32
        %dma_start3A_341 = arith.constant 0 : i32
        %dma_start3A_342 = tpu.memref_slice %arg4[%mul3A_338, %dma_start3A_339, %dma_start3A_340, %dma_start3A_341] : memref<8x32x16x128xf32, #tpu.memory_space<hbm>> -> memref<4x32x16x128xf32, #tpu.memory_space<hbm>>
        tpu.enqueue_dma source(%dma_start3A_342 : memref<4x32x16x128xf32, #tpu.memory_space<hbm>>) target(%arg8 : memref<4x32x16x128xf32, #tpu.memory_space<vmem_shared>>) target_semaphore(%run_scoped3A : memref<!tpu.dma_semaphore, #tpu.memory_space<semaphore_mem>>)
        %dma_wait3A_343 = arith.constant 0 : i32
        %dma_wait3A_344 = arith.constant 0 : i32
        %dma_wait3A_345 = arith.constant 0 : i32
        %dma_wait3A_346 = tpu.memref_slice %arg4[%mul3A_338, %dma_wait3A_343, %dma_wait3A_344, %dma_wait3A_345] : memref<8x32x16x128xf32, #tpu.memory_space<hbm>> -> memref<4x32x16x128xf32, #tpu.memory_space<hbm>>
        tpu.wait_dma2 semaphore(%run_scoped3A : memref<!tpu.dma_semaphore, #tpu.memory_space<semaphore_mem>>) src(%dma_wait3A_346 : memref<4x32x16x128xf32, #tpu.memory_space<hbm>>) dst(%arg8 : memref<4x32x16x128xf32, #tpu.memory_space<vmem_shared>>)
        tpu.yield
      }) : () -> ()
    } else {
    }
    %barrier3A = arith.constant 0 : index
    tpu.barrier barrier_id(%barrier3A)
    %dma_wait3A = arith.constant 0 : i32
    %dma_wait3A_198 = arith.constant 0 : i32
    %dma_wait3A_199 = tpu.memref_slice %arg5[%select_n3A, %add3A_37, %dma_wait3A, %dma_wait3A_198] : memref<8x2048x16x128xf32, #tpu.memory_space<hbm>> -> memref<1x32x16x128xf32, #tpu.memory_space<hbm>>
    %dma_wait3A_200 = tpu.memref_squeeze %dma_wait3A_199 : memref<1x32x16x128xf32, #tpu.memory_space<hbm>> -> memref<32x16x128xf32, #tpu.memory_space<hbm>>
    %dma_wait3A_201 = arith.constant 0 : i32
    %dma_wait3A_202 = arith.constant 0 : i32
    %dma_wait3A_203 = tpu.memref_slice %arg5[%select_n3A, %add3A_37, %dma_wait3A_201, %dma_wait3A_202] : memref<8x2048x16x128xf32, #tpu.memory_space<hbm>> -> memref<1x32x16x128xf32, #tpu.memory_space<hbm>>
    %dma_wait3A_204 = tpu.memref_squeeze %dma_wait3A_203 : memref<1x32x16x128xf32, #tpu.memory_space<hbm>> -> memref<32x16x128xf32, #tpu.memory_space<hbm>>
    tpu.wait_dma2 semaphore(%arg9 : memref<!tpu.dma_semaphore, #tpu.memory_space<semaphore_mem>>) src(%arg6 : memref<32x16x128xf32, #tpu.memory_space<vmem>>) dst(%dma_wait3A_204 : memref<32x16x128xf32, #tpu.memory_space<hbm>>)
    %dma_wait3A_205 = arith.constant 0 : i32
    %dma_wait3A_206 = arith.constant 0 : i32
    %dma_wait3A_207 = tpu.memref_slice %arg5[%select_n3A, %add3A_39, %dma_wait3A_205, %dma_wait3A_206] : memref<8x2048x16x128xf32, #tpu.memory_space<hbm>> -> memref<1x32x16x128xf32, #tpu.memory_space<hbm>>
    %dma_wait3A_208 = tpu.memref_squeeze %dma_wait3A_207 : memref<1x32x16x128xf32, #tpu.memory_space<hbm>> -> memref<32x16x128xf32, #tpu.memory_space<hbm>>
    %dma_wait3A_209 = arith.constant 0 : i32
    %dma_wait3A_210 = arith.constant 0 : i32
    %dma_wait3A_211 = tpu.memref_slice %arg5[%select_n3A, %add3A_39, %dma_wait3A_209, %dma_wait3A_210] : memref<8x2048x16x128xf32, #tpu.memory_space<hbm>> -> memref<1x32x16x128xf32, #tpu.memory_space<hbm>>
    %dma_wait3A_212 = tpu.memref_squeeze %dma_wait3A_211 : memref<1x32x16x128xf32, #tpu.memory_space<hbm>> -> memref<32x16x128xf32, #tpu.memory_space<hbm>>
    tpu.wait_dma2 semaphore(%arg9 : memref<!tpu.dma_semaphore, #tpu.memory_space<semaphore_mem>>) src(%arg6 : memref<32x16x128xf32, #tpu.memory_space<vmem>>) dst(%dma_wait3A_212 : memref<32x16x128xf32, #tpu.memory_space<hbm>>)
    %dma_wait3A_213 = arith.constant 0 : i32
    %dma_wait3A_214 = arith.constant 0 : i32
    %dma_wait3A_215 = tpu.memref_slice %arg5[%select_n3A, %add3A_41, %dma_wait3A_213, %dma_wait3A_214] : memref<8x2048x16x128xf32, #tpu.memory_space<hbm>> -> memref<1x32x16x128xf32, #tpu.memory_space<hbm>>
    %dma_wait3A_216 = tpu.memref_squeeze %dma_wait3A_215 : memref<1x32x16x128xf32, #tpu.memory_space<hbm>> -> memref<32x16x128xf32, #tpu.memory_space<hbm>>
    %dma_wait3A_217 = arith.constant 0 : i32
    %dma_wait3A_218 = arith.constant 0 : i32
    %dma_wait3A_219 = tpu.memref_slice %arg5[%select_n3A, %add3A_41, %dma_wait3A_217, %dma_wait3A_218] : memref<8x2048x16x128xf32, #tpu.memory_space<hbm>> -> memref<1x32x16x128xf32, #tpu.memory_space<hbm>>
    %dma_wait3A_220 = tpu.memref_squeeze %dma_wait3A_219 : memref<1x32x16x128xf32, #tpu.memory_space<hbm>> -> memref<32x16x128xf32, #tpu.memory_space<hbm>>
    tpu.wait_dma2 semaphore(%arg9 : memref<!tpu.dma_semaphore, #tpu.memory_space<semaphore_mem>>) src(%arg6 : memref<32x16x128xf32, #tpu.memory_space<vmem>>) dst(%dma_wait3A_220 : memref<32x16x128xf32, #tpu.memory_space<hbm>>)
    %dma_wait3A_221 = arith.constant 0 : i32
    %dma_wait3A_222 = arith.constant 0 : i32
    %dma_wait3A_223 = tpu.memref_slice %arg5[%select_n3A, %add3A_43, %dma_wait3A_221, %dma_wait3A_222] : memref<8x2048x16x128xf32, #tpu.memory_space<hbm>> -> memref<1x32x16x128xf32, #tpu.memory_space<hbm>>
    %dma_wait3A_224 = tpu.memref_squeeze %dma_wait3A_223 : memref<1x32x16x128xf32, #tpu.memory_space<hbm>> -> memref<32x16x128xf32, #tpu.memory_space<hbm>>
    %dma_wait3A_225 = arith.constant 0 : i32
    %dma_wait3A_226 = arith.constant 0 : i32
    %dma_wait3A_227 = tpu.memref_slice %arg5[%select_n3A, %add3A_43, %dma_wait3A_225, %dma_wait3A_226] : memref<8x2048x16x128xf32, #tpu.memory_space<hbm>> -> memref<1x32x16x128xf32, #tpu.memory_space<hbm>>
    %dma_wait3A_228 = tpu.memref_squeeze %dma_wait3A_227 : memref<1x32x16x128xf32, #tpu.memory_space<hbm>> -> memref<32x16x128xf32, #tpu.memory_space<hbm>>
    tpu.wait_dma2 semaphore(%arg9 : memref<!tpu.dma_semaphore, #tpu.memory_space<semaphore_mem>>) src(%arg6 : memref<32x16x128xf32, #tpu.memory_space<vmem>>) dst(%dma_wait3A_228 : memref<32x16x128xf32, #tpu.memory_space<hbm>>)
    %dma_wait3A_229 = arith.constant 0 : i32
    %dma_wait3A_230 = arith.constant 0 : i32
    %dma_wait3A_231 = tpu.memref_slice %arg5[%select_n3A, %add3A_45, %dma_wait3A_229, %dma_wait3A_230] : memref<8x2048x16x128xf32, #tpu.memory_space<hbm>> -> memref<1x32x16x128xf32, #tpu.memory_space<hbm>>
    %dma_wait3A_232 = tpu.memref_squeeze %dma_wait3A_231 : memref<1x32x16x128xf32, #tpu.memory_space<hbm>> -> memref<32x16x128xf32, #tpu.memory_space<hbm>>
    %dma_wait3A_233 = arith.constant 0 : i32
    %dma_wait3A_234 = arith.constant 0 : i32
    %dma_wait3A_235 = tpu.memref_slice %arg5[%select_n3A, %add3A_45, %dma_wait3A_233, %dma_wait3A_234] : memref<8x2048x16x128xf32, #tpu.memory_space<hbm>> -> memref<1x32x16x128xf32, #tpu.memory_space<hbm>>
    %dma_wait3A_236 = tpu.memref_squeeze %dma_wait3A_235 : memref<1x32x16x128xf32, #tpu.memory_space<hbm>> -> memref<32x16x128xf32, #tpu.memory_space<hbm>>
    tpu.wait_dma2 semaphore(%arg9 : memref<!tpu.dma_semaphore, #tpu.memory_space<semaphore_mem>>) src(%arg6 : memref<32x16x128xf32, #tpu.memory_space<vmem>>) dst(%dma_wait3A_236 : memref<32x16x128xf32, #tpu.memory_space<hbm>>)
    %dma_wait3A_237 = arith.constant 0 : i32
    %dma_wait3A_238 = arith.constant 0 : i32
    %dma_wait3A_239 = tpu.memref_slice %arg5[%select_n3A, %add3A_47, %dma_wait3A_237, %dma_wait3A_238] : memref<8x2048x16x128xf32, #tpu.memory_space<hbm>> -> memref<1x32x16x128xf32, #tpu.memory_space<hbm>>
    %dma_wait3A_240 = tpu.memref_squeeze %dma_wait3A_239 : memref<1x32x16x128xf32, #tpu.memory_space<hbm>> -> memref<32x16x128xf32, #tpu.memory_space<hbm>>
    %dma_wait3A_241 = arith.constant 0 : i32
    %dma_wait3A_242 = arith.constant 0 : i32
    %dma_wait3A_243 = tpu.memref_slice %arg5[%select_n3A, %add3A_47, %dma_wait3A_241, %dma_wait3A_242] : memref<8x2048x16x128xf32, #tpu.memory_space<hbm>> -> memref<1x32x16x128xf32, #tpu.memory_space<hbm>>
    %dma_wait3A_244 = tpu.memref_squeeze %dma_wait3A_243 : memref<1x32x16x128xf32, #tpu.memory_space<hbm>> -> memref<32x16x128xf32, #tpu.memory_space<hbm>>
    tpu.wait_dma2 semaphore(%arg9 : memref<!tpu.dma_semaphore, #tpu.memory_space<semaphore_mem>>) src(%arg6 : memref<32x16x128xf32, #tpu.memory_space<vmem>>) dst(%dma_wait3A_244 : memref<32x16x128xf32, #tpu.memory_space<hbm>>)
    %dma_wait3A_245 = arith.constant 0 : i32
    %dma_wait3A_246 = arith.constant 0 : i32
    %dma_wait3A_247 = tpu.memref_slice %arg5[%select_n3A, %add3A_49, %dma_wait3A_245, %dma_wait3A_246] : memref<8x2048x16x128xf32, #tpu.memory_space<hbm>> -> memref<1x32x16x128xf32, #tpu.memory_space<hbm>>
    %dma_wait3A_248 = tpu.memref_squeeze %dma_wait3A_247 : memref<1x32x16x128xf32, #tpu.memory_space<hbm>> -> memref<32x16x128xf32, #tpu.memory_space<hbm>>
    %dma_wait3A_249 = arith.constant 0 : i32
    %dma_wait3A_250 = arith.constant 0 : i32
    %dma_wait3A_251 = tpu.memref_slice %arg5[%select_n3A, %add3A_49, %dma_wait3A_249, %dma_wait3A_250] : memref<8x2048x16x128xf32, #tpu.memory_space<hbm>> -> memref<1x32x16x128xf32, #tpu.memory_space<hbm>>
    %dma_wait3A_252 = tpu.memref_squeeze %dma_wait3A_251 : memref<1x32x16x128xf32, #tpu.memory_space<hbm>> -> memref<32x16x128xf32, #tpu.memory_space<hbm>>
    tpu.wait_dma2 semaphore(%arg9 : memref<!tpu.dma_semaphore, #tpu.memory_space<semaphore_mem>>) src(%arg6 : memref<32x16x128xf32, #tpu.memory_space<vmem>>) dst(%dma_wait3A_252 : memref<32x16x128xf32, #tpu.memory_space<hbm>>)
    %dma_wait3A_253 = arith.constant 0 : i32
    %dma_wait3A_254 = arith.constant 0 : i32
    %dma_wait3A_255 = tpu.memref_slice %arg5[%select_n3A, %add3A_51, %dma_wait3A_253, %dma_wait3A_254] : memref<8x2048x16x128xf32, #tpu.memory_space<hbm>> -> memref<1x32x16x128xf32, #tpu.memory_space<hbm>>
    %dma_wait3A_256 = tpu.memref_squeeze %dma_wait3A_255 : memref<1x32x16x128xf32, #tpu.memory_space<hbm>> -> memref<32x16x128xf32, #tpu.memory_space<hbm>>
    %dma_wait3A_257 = arith.constant 0 : i32
    %dma_wait3A_258 = arith.constant 0 : i32
    %dma_wait3A_259 = tpu.memref_slice %arg5[%select_n3A, %add3A_51, %dma_wait3A_257, %dma_wait3A_258] : memref<8x2048x16x128xf32, #tpu.memory_space<hbm>> -> memref<1x32x16x128xf32, #tpu.memory_space<hbm>>
    %dma_wait3A_260 = tpu.memref_squeeze %dma_wait3A_259 : memref<1x32x16x128xf32, #tpu.memory_space<hbm>> -> memref<32x16x128xf32, #tpu.memory_space<hbm>>
    tpu.wait_dma2 semaphore(%arg9 : memref<!tpu.dma_semaphore, #tpu.memory_space<semaphore_mem>>) src(%arg6 : memref<32x16x128xf32, #tpu.memory_space<vmem>>) dst(%dma_wait3A_260 : memref<32x16x128xf32, #tpu.memory_space<hbm>>)
    %dma_wait3A_261 = arith.constant 0 : i32
    %dma_wait3A_262 = arith.constant 0 : i32
    %dma_wait3A_263 = tpu.memref_slice %arg5[%select_n3A, %add3A_53, %dma_wait3A_261, %dma_wait3A_262] : memref<8x2048x16x128xf32, #tpu.memory_space<hbm>> -> memref<1x32x16x128xf32, #tpu.memory_space<hbm>>
    %dma_wait3A_264 = tpu.memref_squeeze %dma_wait3A_263 : memref<1x32x16x128xf32, #tpu.memory_space<hbm>> -> memref<32x16x128xf32, #tpu.memory_space<hbm>>
    %dma_wait3A_265 = arith.constant 0 : i32
    %dma_wait3A_266 = arith.constant 0 : i32
    %dma_wait3A_267 = tpu.memref_slice %arg5[%select_n3A, %add3A_53, %dma_wait3A_265, %dma_wait3A_266] : memref<8x2048x16x128xf32, #tpu.memory_space<hbm>> -> memref<1x32x16x128xf32, #tpu.memory_space<hbm>>
    %dma_wait3A_268 = tpu.memref_squeeze %dma_wait3A_267 : memref<1x32x16x128xf32, #tpu.memory_space<hbm>> -> memref<32x16x128xf32, #tpu.memory_space<hbm>>
    tpu.wait_dma2 semaphore(%arg9 : memref<!tpu.dma_semaphore, #tpu.memory_space<semaphore_mem>>) src(%arg6 : memref<32x16x128xf32, #tpu.memory_space<vmem>>) dst(%dma_wait3A_268 : memref<32x16x128xf32, #tpu.memory_space<hbm>>)
    %dma_wait3A_269 = arith.constant 0 : i32
    %dma_wait3A_270 = arith.constant 0 : i32
    %dma_wait3A_271 = tpu.memref_slice %arg5[%select_n3A, %add3A_55, %dma_wait3A_269, %dma_wait3A_270] : memref<8x2048x16x128xf32, #tpu.memory_space<hbm>> -> memref<1x32x16x128xf32, #tpu.memory_space<hbm>>
    %dma_wait3A_272 = tpu.memref_squeeze %dma_wait3A_271 : memref<1x32x16x128xf32, #tpu.memory_space<hbm>> -> memref<32x16x128xf32, #tpu.memory_space<hbm>>
    %dma_wait3A_273 = arith.constant 0 : i32
    %dma_wait3A_274 = arith.constant 0 : i32
    %dma_wait3A_275 = tpu.memref_slice %arg5[%select_n3A, %add3A_55, %dma_wait3A_273, %dma_wait3A_274] : memref<8x2048x16x128xf32, #tpu.memory_space<hbm>> -> memref<1x32x16x128xf32, #tpu.memory_space<hbm>>
    %dma_wait3A_276 = tpu.memref_squeeze %dma_wait3A_275 : memref<1x32x16x128xf32, #tpu.memory_space<hbm>> -> memref<32x16x128xf32, #tpu.memory_space<hbm>>
    tpu.wait_dma2 semaphore(%arg9 : memref<!tpu.dma_semaphore, #tpu.memory_space<semaphore_mem>>) src(%arg6 : memref<32x16x128xf32, #tpu.memory_space<vmem>>) dst(%dma_wait3A_276 : memref<32x16x128xf32, #tpu.memory_space<hbm>>)
    %dma_wait3A_277 = arith.constant 0 : i32
    %dma_wait3A_278 = arith.constant 0 : i32
    %dma_wait3A_279 = tpu.memref_slice %arg5[%select_n3A, %add3A_57, %dma_wait3A_277, %dma_wait3A_278] : memref<8x2048x16x128xf32, #tpu.memory_space<hbm>> -> memref<1x32x16x128xf32, #tpu.memory_space<hbm>>
    %dma_wait3A_280 = tpu.memref_squeeze %dma_wait3A_279 : memref<1x32x16x128xf32, #tpu.memory_space<hbm>> -> memref<32x16x128xf32, #tpu.memory_space<hbm>>
    %dma_wait3A_281 = arith.constant 0 : i32
    %dma_wait3A_282 = arith.constant 0 : i32
    %dma_wait3A_283 = tpu.memref_slice %arg5[%select_n3A, %add3A_57, %dma_wait3A_281, %dma_wait3A_282] : memref<8x2048x16x128xf32, #tpu.memory_space<hbm>> -> memref<1x32x16x128xf32, #tpu.memory_space<hbm>>
    %dma_wait3A_284 = tpu.memref_squeeze %dma_wait3A_283 : memref<1x32x16x128xf32, #tpu.memory_space<hbm>> -> memref<32x16x128xf32, #tpu.memory_space<hbm>>
    tpu.wait_dma2 semaphore(%arg9 : memref<!tpu.dma_semaphore, #tpu.memory_space<semaphore_mem>>) src(%arg6 : memref<32x16x128xf32, #tpu.memory_space<vmem>>) dst(%dma_wait3A_284 : memref<32x16x128xf32, #tpu.memory_space<hbm>>)
    %dma_wait3A_285 = arith.constant 0 : i32
    %dma_wait3A_286 = arith.constant 0 : i32
    %dma_wait3A_287 = tpu.memref_slice %arg5[%select_n3A, %add3A_59, %dma_wait3A_285, %dma_wait3A_286] : memref<8x2048x16x128xf32, #tpu.memory_space<hbm>> -> memref<1x32x16x128xf32, #tpu.memory_space<hbm>>
    %dma_wait3A_288 = tpu.memref_squeeze %dma_wait3A_287 : memref<1x32x16x128xf32, #tpu.memory_space<hbm>> -> memref<32x16x128xf32, #tpu.memory_space<hbm>>
    %dma_wait3A_289 = arith.constant 0 : i32
    %dma_wait3A_290 = arith.constant 0 : i32
    %dma_wait3A_291 = tpu.memref_slice %arg5[%select_n3A, %add3A_59, %dma_wait3A_289, %dma_wait3A_290] : memref<8x2048x16x128xf32, #tpu.memory_space<hbm>> -> memref<1x32x16x128xf32, #tpu.memory_space<hbm>>
    %dma_wait3A_292 = tpu.memref_squeeze %dma_wait3A_291 : memref<1x32x16x128xf32, #tpu.memory_space<hbm>> -> memref<32x16x128xf32, #tpu.memory_space<hbm>>
    tpu.wait_dma2 semaphore(%arg9 : memref<!tpu.dma_semaphore, #tpu.memory_space<semaphore_mem>>) src(%arg6 : memref<32x16x128xf32, #tpu.memory_space<vmem>>) dst(%dma_wait3A_292 : memref<32x16x128xf32, #tpu.memory_space<hbm>>)
    %dma_wait3A_293 = arith.constant 0 : i32
    %dma_wait3A_294 = arith.constant 0 : i32
    %dma_wait3A_295 = tpu.memref_slice %arg5[%select_n3A, %add3A_61, %dma_wait3A_293, %dma_wait3A_294] : memref<8x2048x16x128xf32, #tpu.memory_space<hbm>> -> memref<1x32x16x128xf32, #tpu.memory_space<hbm>>
    %dma_wait3A_296 = tpu.memref_squeeze %dma_wait3A_295 : memref<1x32x16x128xf32, #tpu.memory_space<hbm>> -> memref<32x16x128xf32, #tpu.memory_space<hbm>>
    %dma_wait3A_297 = arith.constant 0 : i32
    %dma_wait3A_298 = arith.constant 0 : i32
    %dma_wait3A_299 = tpu.memref_slice %arg5[%select_n3A, %add3A_61, %dma_wait3A_297, %dma_wait3A_298] : memref<8x2048x16x128xf32, #tpu.memory_space<hbm>> -> memref<1x32x16x128xf32, #tpu.memory_space<hbm>>
    %dma_wait3A_300 = tpu.memref_squeeze %dma_wait3A_299 : memref<1x32x16x128xf32, #tpu.memory_space<hbm>> -> memref<32x16x128xf32, #tpu.memory_space<hbm>>
    tpu.wait_dma2 semaphore(%arg9 : memref<!tpu.dma_semaphore, #tpu.memory_space<semaphore_mem>>) src(%arg6 : memref<32x16x128xf32, #tpu.memory_space<vmem>>) dst(%dma_wait3A_300 : memref<32x16x128xf32, #tpu.memory_space<hbm>>)
    %dma_wait3A_301 = arith.constant 0 : i32
    %dma_wait3A_302 = arith.constant 0 : i32
    %dma_wait3A_303 = tpu.memref_slice %arg5[%select_n3A, %add3A_63, %dma_wait3A_301, %dma_wait3A_302] : memref<8x2048x16x128xf32, #tpu.memory_space<hbm>> -> memref<1x32x16x128xf32, #tpu.memory_space<hbm>>
    %dma_wait3A_304 = tpu.memref_squeeze %dma_wait3A_303 : memref<1x32x16x128xf32, #tpu.memory_space<hbm>> -> memref<32x16x128xf32, #tpu.memory_space<hbm>>
    %dma_wait3A_305 = arith.constant 0 : i32
    %dma_wait3A_306 = arith.constant 0 : i32
    %dma_wait3A_307 = tpu.memref_slice %arg5[%select_n3A, %add3A_63, %dma_wait3A_305, %dma_wait3A_306] : memref<8x2048x16x128xf32, #tpu.memory_space<hbm>> -> memref<1x32x16x128xf32, #tpu.memory_space<hbm>>
    %dma_wait3A_308 = tpu.memref_squeeze %dma_wait3A_307 : memref<1x32x16x128xf32, #tpu.memory_space<hbm>> -> memref<32x16x128xf32, #tpu.memory_space<hbm>>
    tpu.wait_dma2 semaphore(%arg9 : memref<!tpu.dma_semaphore, #tpu.memory_space<semaphore_mem>>) src(%arg6 : memref<32x16x128xf32, #tpu.memory_space<vmem>>) dst(%dma_wait3A_308 : memref<32x16x128xf32, #tpu.memory_space<hbm>>)
    %dma_wait3A_309 = arith.constant 0 : i32
    %dma_wait3A_310 = arith.constant 0 : i32
    %dma_wait3A_311 = tpu.memref_slice %arg5[%select_n3A, %add3A_65, %dma_wait3A_309, %dma_wait3A_310] : memref<8x2048x16x128xf32, #tpu.memory_space<hbm>> -> memref<1x32x16x128xf32, #tpu.memory_space<hbm>>
    %dma_wait3A_312 = tpu.memref_squeeze %dma_wait3A_311 : memref<1x32x16x128xf32, #tpu.memory_space<hbm>> -> memref<32x16x128xf32, #tpu.memory_space<hbm>>
    %dma_wait3A_313 = arith.constant 0 : i32
    %dma_wait3A_314 = arith.constant 0 : i32
    %dma_wait3A_315 = tpu.memref_slice %arg5[%select_n3A, %add3A_65, %dma_wait3A_313, %dma_wait3A_314] : memref<8x2048x16x128xf32, #tpu.memory_space<hbm>> -> memref<1x32x16x128xf32, #tpu.memory_space<hbm>>
    %dma_wait3A_316 = tpu.memref_squeeze %dma_wait3A_315 : memref<1x32x16x128xf32, #tpu.memory_space<hbm>> -> memref<32x16x128xf32, #tpu.memory_space<hbm>>
    tpu.wait_dma2 semaphore(%arg9 : memref<!tpu.dma_semaphore, #tpu.memory_space<semaphore_mem>>) src(%arg6 : memref<32x16x128xf32, #tpu.memory_space<vmem>>) dst(%dma_wait3A_316 : memref<32x16x128xf32, #tpu.memory_space<hbm>>)
    %dma_wait3A_317 = arith.constant 0 : i32
    %dma_wait3A_318 = arith.constant 0 : i32
    %dma_wait3A_319 = tpu.memref_slice %arg5[%select_n3A, %add3A_67, %dma_wait3A_317, %dma_wait3A_318] : memref<8x2048x16x128xf32, #tpu.memory_space<hbm>> -> memref<1x32x16x128xf32, #tpu.memory_space<hbm>>
    %dma_wait3A_320 = tpu.memref_squeeze %dma_wait3A_319 : memref<1x32x16x128xf32, #tpu.memory_space<hbm>> -> memref<32x16x128xf32, #tpu.memory_space<hbm>>
    %dma_wait3A_321 = arith.constant 0 : i32
    %dma_wait3A_322 = arith.constant 0 : i32
    %dma_wait3A_323 = tpu.memref_slice %arg5[%select_n3A, %add3A_67, %dma_wait3A_321, %dma_wait3A_322] : memref<8x2048x16x128xf32, #tpu.memory_space<hbm>> -> memref<1x32x16x128xf32, #tpu.memory_space<hbm>>
    %dma_wait3A_324 = tpu.memref_squeeze %dma_wait3A_323 : memref<1x32x16x128xf32, #tpu.memory_space<hbm>> -> memref<32x16x128xf32, #tpu.memory_space<hbm>>
    tpu.wait_dma2 semaphore(%arg9 : memref<!tpu.dma_semaphore, #tpu.memory_space<semaphore_mem>>) src(%arg6 : memref<32x16x128xf32, #tpu.memory_space<vmem>>) dst(%dma_wait3A_324 : memref<32x16x128xf32, #tpu.memory_space<hbm>>)
    %get3A = arith.constant 0 : index
    %get3A_325 = tpu.vector_load %arg7[%get3A] {strides = array<i32>} : memref<16xi32, #tpu.memory_space<vmem>>, vector<16xi32>,
    %get3A_326 = vector.shape_cast %get3A_325 : vector<16xi32> to vector<16xi32>
    %slice3A = vector.extract_strided_slice %get3A_326 {offsets = [0], sizes = [1], strides = [1]} : vector<16xi32> to vector<1xi32>
    %squeeze3A = vector.extract %slice3A[0] : i32 from vector<1xi32>
    %jit3A_327 = arith.constant 0 : i32
    %jit3A_328 = arith.constant 2016 : i32
    %max3A = arith.maxsi %jit3A_327, %squeeze3A : i32
    %min3A = arith.minsi %jit3A_328, %max3A : i32
    %multiple_of3A = tpu.assume_multiple %min3A, 8 : i32
    %ge3A = arith.cmpi sge, %multiple_of3A, %mul3A_35 : i32
    %add3A_329 = arith.constant 32 : i32
    %add3A_330 = arith.addi %multiple_of3A, %add3A_329 : i32
    %add3A_331 = arith.constant 512 : i32
    %add3A_332 = arith.addi %mul3A_35, %add3A_331 : i32
    %le3A = arith.cmpi sle, %add3A_330, %add3A_332 : i32
    %and3A_333 = arith.andi %ge3A, %le3A : i1
    %convert_element_type3A_334 = arith.extui %and3A_333 : i1 to i32
    %cond3A_335 = arith.constant 0 : i32
    %cond3A_336 = arith.cmpi ne, %convert_element_type3A_334, %cond3A_335 : i32
    scf.if %cond3A_336 {
      %dma_start3A_337 = arith.constant 0 : i32
      %dma_start3A_338 = arith.constant 0 : i32
      %dma_start3A_339 = tpu.memref_slice %arg5[%select_n3A, %multiple_of3A, %dma_start3A_337, %dma_start3A_338] : memref<8x2048x16x128xf32, #tpu.memory_space<hbm>> -> memref<1x32x16x128xf32, #tpu.memory_space<hbm>>
      %dma_start3A_340 = tpu.memref_squeeze %dma_start3A_339 : memref<1x32x16x128xf32, #tpu.memory_space<hbm>> -> memref<32x16x128xf32, #tpu.memory_space<hbm>>
      %dma_start3A_341 = arith.constant 0 : i32
      %dma_start3A_342 = arith.constant 0 : i32
      %dma_start3A_343 = arith.constant 0 : i32
      %dma_start3A_344 = tpu.memref_slice %arg8[%sub3A_19, %dma_start3A_341, %dma_start3A_342, %dma_start3A_343] : memref<4x32x16x128xf32, #tpu.memory_space<vmem_shared>> -> memref<1x32x16x128xf32, #tpu.memory_space<vmem_shared>>
      %dma_start3A_345 = tpu.memref_squeeze %dma_start3A_344 : memref<1x32x16x128xf32, #tpu.memory_space<vmem_shared>> -> memref<32x16x128xf32, #tpu.memory_space<vmem_shared>>
      tpu.enqueue_dma source(%dma_start3A_345 : memref<32x16x128xf32, #tpu.memory_space<vmem_shared>>) target(%dma_start3A_340 : memref<32x16x128xf32, #tpu.memory_space<hbm>>) target_semaphore(%arg10 : memref<!tpu.dma_semaphore, #tpu.memory_space<semaphore_mem>>)
      %dma_wait3A_346 = arith.constant 0 : i32
      %dma_wait3A_347 = arith.constant 0 : i32
      %dma_wait3A_348 = tpu.memref_slice %arg5[%select_n3A, %multiple_of3A, %dma_wait3A_346, %dma_wait3A_347] : memref<8x2048x16x128xf32, #tpu.memory_space<hbm>> -> memref<1x32x16x128xf32, #tpu.memory_space<hbm>>
      %dma_wait3A_349 = tpu.memref_squeeze %dma_wait3A_348 : memref<1x32x16x128xf32, #tpu.memory_space<hbm>> -> memref<32x16x128xf32, #tpu.memory_space<hbm>>
      %dma_wait3A_350 = arith.constant 0 : i32
      %dma_wait3A_351 = arith.constant 0 : i32
      %dma_wait3A_352 = arith.constant 0 : i32
      %dma_wait3A_353 = tpu.memref_slice %arg8[%sub3A_19, %dma_wait3A_350, %dma_wait3A_351, %dma_wait3A_352] : memref<4x32x16x128xf32, #tpu.memory_space<vmem_shared>> -> memref<1x32x16x128xf32, #tpu.memory_space<vmem_shared>>
      %dma_wait3A_354 = tpu.memref_squeeze %dma_wait3A_353 : memref<1x32x16x128xf32, #tpu.memory_space<vmem_shared>> -> memref<32x16x128xf32, #tpu.memory_space<vmem_shared>>
      tpu.wait_dma2 semaphore(%arg10 : memref<!tpu.dma_semaphore, #tpu.memory_space<semaphore_mem>>) src(%dma_wait3A_354 : memref<32x16x128xf32, #tpu.memory_space<vmem_shared>>) dst(%dma_wait3A_349 : memref<32x16x128xf32, #tpu.memory_space<hbm>>)
    } else {
    }
    return
  }
}

module attributes {stable_mosaic.version = 14 : i64} {
  func.func @_tc_key_kernel(%arg0: memref<1xi32, #tpu.memory_space<smem>>, %arg1: memref<8x32x16x128xf32, #tpu.memory_space<vmem>>, %arg2: memref<8x1x32x2048xi32, #tpu.memory_space<vmem>>, %arg3: memref<8x2048x16x128xf32, #tpu.memory_space<hbm>>, %arg4: memref<8x1x32x2048xi32, #tpu.memory_space<vmem>>, %arg5: memref<2048x16x128xf32, #tpu.memory_space<vmem>>, %arg6: memref<8x!tpu.dma_semaphore, #tpu.memory_space<semaphore_mem>>, %arg7: memref<!tpu.dma_semaphore, #tpu.memory_space<semaphore_mem>>) attributes {dimension_semantics = [], scalar_prefetch = 0 : i64, scratch_operands = 3 : i64, tpu.core_type = #tpu.core_type<tc>} {
    %broadcast_in_dim3A = arith.constant 0.000000e+00 : f32
    %broadcast_in_dim3A_0 = vector.broadcast %broadcast_in_dim3A : f32 to vector<2048x16x128xf32>
    %swap3A = arith.constant 0 : index
    %swap3A_1 = arith.constant 0 : index
    %swap3A_2 = arith.constant 0 : index
    %swap3A_3 = vector.load %arg5[%swap3A, %swap3A_1, %swap3A_2] : memref<2048x16x128xf32, #tpu.memory_space<vmem>>, vector<2048x16x128xf32>
    tpu.vector_store %arg5[%swap3A, %swap3A_1, %swap3A_2], %broadcast_in_dim3A_0 {strides = array<i32>} : memref<2048x16x128xf32, #tpu.memory_space<vmem>>, vector<2048x16x128xf32>,
    %dma_start3A = arith.constant 0 : i32
    %dma_start3A_4 = arith.constant 0 : i32
    %dma_start3A_5 = tpu.memref_slice %arg6[%dma_start3A_4] : memref<8x!tpu.dma_semaphore, #tpu.memory_space<semaphore_mem>> -> memref<1x!tpu.dma_semaphore, #tpu.memory_space<semaphore_mem>>
    %dma_start3A_6 = tpu.memref_squeeze %dma_start3A_5 : memref<1x!tpu.dma_semaphore, #tpu.memory_space<semaphore_mem>> -> memref<!tpu.dma_semaphore, #tpu.memory_space<semaphore_mem>>
    %dma_start3A_7 = arith.constant 0 : i32
    %dma_start3A_8 = arith.constant 0 : i32
    %dma_start3A_9 = arith.constant 0 : i32
    %dma_start3A_10 = tpu.memref_slice %arg3[%dma_start3A, %dma_start3A_7, %dma_start3A_8, %dma_start3A_9] : memref<8x2048x16x128xf32, #tpu.memory_space<hbm>> -> memref<1x2048x16x128xf32, #tpu.memory_space<hbm>>
    %dma_start3A_11 = tpu.memref_squeeze %dma_start3A_10 : memref<1x2048x16x128xf32, #tpu.memory_space<hbm>> -> memref<2048x16x128xf32, #tpu.memory_space<hbm>>
    tpu.enqueue_dma source(%arg5 : memref<2048x16x128xf32, #tpu.memory_space<vmem>>) target(%dma_start3A_11 : memref<2048x16x128xf32, #tpu.memory_space<hbm>>) target_semaphore(%dma_start3A_6 : memref<!tpu.dma_semaphore, #tpu.memory_space<semaphore_mem>>)
    %dma_start3A_12 = arith.constant 1 : i32
    %dma_start3A_13 = arith.constant 1 : i32
    %dma_start3A_14 = tpu.memref_slice %arg6[%dma_start3A_13] : memref<8x!tpu.dma_semaphore, #tpu.memory_space<semaphore_mem>> -> memref<1x!tpu.dma_semaphore, #tpu.memory_space<semaphore_mem>>
    %dma_start3A_15 = tpu.memref_squeeze %dma_start3A_14 : memref<1x!tpu.dma_semaphore, #tpu.memory_space<semaphore_mem>> -> memref<!tpu.dma_semaphore, #tpu.memory_space<semaphore_mem>>
    %dma_start3A_16 = arith.constant 0 : i32
    %dma_start3A_17 = arith.constant 0 : i32
    %dma_start3A_18 = arith.constant 0 : i32
    %dma_start3A_19 = tpu.memref_slice %arg3[%dma_start3A_12, %dma_start3A_16, %dma_start3A_17, %dma_start3A_18] : memref<8x2048x16x128xf32, #tpu.memory_space<hbm>> -> memref<1x2048x16x128xf32, #tpu.memory_space<hbm>>
    %dma_start3A_20 = tpu.memref_squeeze %dma_start3A_19 : memref<1x2048x16x128xf32, #tpu.memory_space<hbm>> -> memref<2048x16x128xf32, #tpu.memory_space<hbm>>
    tpu.enqueue_dma source(%arg5 : memref<2048x16x128xf32, #tpu.memory_space<vmem>>) target(%dma_start3A_20 : memref<2048x16x128xf32, #tpu.memory_space<hbm>>) target_semaphore(%dma_start3A_15 : memref<!tpu.dma_semaphore, #tpu.memory_space<semaphore_mem>>)
    %dma_start3A_21 = arith.constant 2 : i32
    %dma_start3A_22 = arith.constant 2 : i32
    %dma_start3A_23 = tpu.memref_slice %arg6[%dma_start3A_22] : memref<8x!tpu.dma_semaphore, #tpu.memory_space<semaphore_mem>> -> memref<1x!tpu.dma_semaphore, #tpu.memory_space<semaphore_mem>>
    %dma_start3A_24 = tpu.memref_squeeze %dma_start3A_23 : memref<1x!tpu.dma_semaphore, #tpu.memory_space<semaphore_mem>> -> memref<!tpu.dma_semaphore, #tpu.memory_space<semaphore_mem>>
    %dma_start3A_25 = arith.constant 0 : i32
    %dma_start3A_26 = arith.constant 0 : i32
    %dma_start3A_27 = arith.constant 0 : i32
    %dma_start3A_28 = tpu.memref_slice %arg3[%dma_start3A_21, %dma_start3A_25, %dma_start3A_26, %dma_start3A_27] : memref<8x2048x16x128xf32, #tpu.memory_space<hbm>> -> memref<1x2048x16x128xf32, #tpu.memory_space<hbm>>
    %dma_start3A_29 = tpu.memref_squeeze %dma_start3A_28 : memref<1x2048x16x128xf32, #tpu.memory_space<hbm>> -> memref<2048x16x128xf32, #tpu.memory_space<hbm>>
    tpu.enqueue_dma source(%arg5 : memref<2048x16x128xf32, #tpu.memory_space<vmem>>) target(%dma_start3A_29 : memref<2048x16x128xf32, #tpu.memory_space<hbm>>) target_semaphore(%dma_start3A_24 : memref<!tpu.dma_semaphore, #tpu.memory_space<semaphore_mem>>)
    %dma_start3A_30 = arith.constant 3 : i32
    %dma_start3A_31 = arith.constant 3 : i32
    %dma_start3A_32 = tpu.memref_slice %arg6[%dma_start3A_31] : memref<8x!tpu.dma_semaphore, #tpu.memory_space<semaphore_mem>> -> memref<1x!tpu.dma_semaphore, #tpu.memory_space<semaphore_mem>>
    %dma_start3A_33 = tpu.memref_squeeze %dma_start3A_32 : memref<1x!tpu.dma_semaphore, #tpu.memory_space<semaphore_mem>> -> memref<!tpu.dma_semaphore, #tpu.memory_space<semaphore_mem>>
    %dma_start3A_34 = arith.constant 0 : i32
    %dma_start3A_35 = arith.constant 0 : i32
    %dma_start3A_36 = arith.constant 0 : i32
    %dma_start3A_37 = tpu.memref_slice %arg3[%dma_start3A_30, %dma_start3A_34, %dma_start3A_35, %dma_start3A_36] : memref<8x2048x16x128xf32, #tpu.memory_space<hbm>> -> memref<1x2048x16x128xf32, #tpu.memory_space<hbm>>
    %dma_start3A_38 = tpu.memref_squeeze %dma_start3A_37 : memref<1x2048x16x128xf32, #tpu.memory_space<hbm>> -> memref<2048x16x128xf32, #tpu.memory_space<hbm>>
    tpu.enqueue_dma source(%arg5 : memref<2048x16x128xf32, #tpu.memory_space<vmem>>) target(%dma_start3A_38 : memref<2048x16x128xf32, #tpu.memory_space<hbm>>) target_semaphore(%dma_start3A_33 : memref<!tpu.dma_semaphore, #tpu.memory_space<semaphore_mem>>)
    %dma_start3A_39 = arith.constant 4 : i32
    %dma_start3A_40 = arith.constant 4 : i32
    %dma_start3A_41 = tpu.memref_slice %arg6[%dma_start3A_40] : memref<8x!tpu.dma_semaphore, #tpu.memory_space<semaphore_mem>> -> memref<1x!tpu.dma_semaphore, #tpu.memory_space<semaphore_mem>>
    %dma_start3A_42 = tpu.memref_squeeze %dma_start3A_41 : memref<1x!tpu.dma_semaphore, #tpu.memory_space<semaphore_mem>> -> memref<!tpu.dma_semaphore, #tpu.memory_space<semaphore_mem>>
    %dma_start3A_43 = arith.constant 0 : i32
    %dma_start3A_44 = arith.constant 0 : i32
    %dma_start3A_45 = arith.constant 0 : i32
    %dma_start3A_46 = tpu.memref_slice %arg3[%dma_start3A_39, %dma_start3A_43, %dma_start3A_44, %dma_start3A_45] : memref<8x2048x16x128xf32, #tpu.memory_space<hbm>> -> memref<1x2048x16x128xf32, #tpu.memory_space<hbm>>
    %dma_start3A_47 = tpu.memref_squeeze %dma_start3A_46 : memref<1x2048x16x128xf32, #tpu.memory_space<hbm>> -> memref<2048x16x128xf32, #tpu.memory_space<hbm>>
    tpu.enqueue_dma source(%arg5 : memref<2048x16x128xf32, #tpu.memory_space<vmem>>) target(%dma_start3A_47 : memref<2048x16x128xf32, #tpu.memory_space<hbm>>) target_semaphore(%dma_start3A_42 : memref<!tpu.dma_semaphore, #tpu.memory_space<semaphore_mem>>)
    %dma_start3A_48 = arith.constant 5 : i32
    %dma_start3A_49 = arith.constant 5 : i32
    %dma_start3A_50 = tpu.memref_slice %arg6[%dma_start3A_49] : memref<8x!tpu.dma_semaphore, #tpu.memory_space<semaphore_mem>> -> memref<1x!tpu.dma_semaphore, #tpu.memory_space<semaphore_mem>>
    %dma_start3A_51 = tpu.memref_squeeze %dma_start3A_50 : memref<1x!tpu.dma_semaphore, #tpu.memory_space<semaphore_mem>> -> memref<!tpu.dma_semaphore, #tpu.memory_space<semaphore_mem>>
    %dma_start3A_52 = arith.constant 0 : i32
    %dma_start3A_53 = arith.constant 0 : i32
    %dma_start3A_54 = arith.constant 0 : i32
    %dma_start3A_55 = tpu.memref_slice %arg3[%dma_start3A_48, %dma_start3A_52, %dma_start3A_53, %dma_start3A_54] : memref<8x2048x16x128xf32, #tpu.memory_space<hbm>> -> memref<1x2048x16x128xf32, #tpu.memory_space<hbm>>
    %dma_start3A_56 = tpu.memref_squeeze %dma_start3A_55 : memref<1x2048x16x128xf32, #tpu.memory_space<hbm>> -> memref<2048x16x128xf32, #tpu.memory_space<hbm>>
    tpu.enqueue_dma source(%arg5 : memref<2048x16x128xf32, #tpu.memory_space<vmem>>) target(%dma_start3A_56 : memref<2048x16x128xf32, #tpu.memory_space<hbm>>) target_semaphore(%dma_start3A_51 : memref<!tpu.dma_semaphore, #tpu.memory_space<semaphore_mem>>)
    %dma_start3A_57 = arith.constant 6 : i32
    %dma_start3A_58 = arith.constant 6 : i32
    %dma_start3A_59 = tpu.memref_slice %arg6[%dma_start3A_58] : memref<8x!tpu.dma_semaphore, #tpu.memory_space<semaphore_mem>> -> memref<1x!tpu.dma_semaphore, #tpu.memory_space<semaphore_mem>>
    %dma_start3A_60 = tpu.memref_squeeze %dma_start3A_59 : memref<1x!tpu.dma_semaphore, #tpu.memory_space<semaphore_mem>> -> memref<!tpu.dma_semaphore, #tpu.memory_space<semaphore_mem>>
    %dma_start3A_61 = arith.constant 0 : i32
    %dma_start3A_62 = arith.constant 0 : i32
    %dma_start3A_63 = arith.constant 0 : i32
    %dma_start3A_64 = tpu.memref_slice %arg3[%dma_start3A_57, %dma_start3A_61, %dma_start3A_62, %dma_start3A_63] : memref<8x2048x16x128xf32, #tpu.memory_space<hbm>> -> memref<1x2048x16x128xf32, #tpu.memory_space<hbm>>
    %dma_start3A_65 = tpu.memref_squeeze %dma_start3A_64 : memref<1x2048x16x128xf32, #tpu.memory_space<hbm>> -> memref<2048x16x128xf32, #tpu.memory_space<hbm>>
    tpu.enqueue_dma source(%arg5 : memref<2048x16x128xf32, #tpu.memory_space<vmem>>) target(%dma_start3A_65 : memref<2048x16x128xf32, #tpu.memory_space<hbm>>) target_semaphore(%dma_start3A_60 : memref<!tpu.dma_semaphore, #tpu.memory_space<semaphore_mem>>)
    %dma_start3A_66 = arith.constant 7 : i32
    %dma_start3A_67 = arith.constant 7 : i32
    %dma_start3A_68 = tpu.memref_slice %arg6[%dma_start3A_67] : memref<8x!tpu.dma_semaphore, #tpu.memory_space<semaphore_mem>> -> memref<1x!tpu.dma_semaphore, #tpu.memory_space<semaphore_mem>>
    %dma_start3A_69 = tpu.memref_squeeze %dma_start3A_68 : memref<1x!tpu.dma_semaphore, #tpu.memory_space<semaphore_mem>> -> memref<!tpu.dma_semaphore, #tpu.memory_space<semaphore_mem>>
    %dma_start3A_70 = arith.constant 0 : i32
    %dma_start3A_71 = arith.constant 0 : i32
    %dma_start3A_72 = arith.constant 0 : i32
    %dma_start3A_73 = tpu.memref_slice %arg3[%dma_start3A_66, %dma_start3A_70, %dma_start3A_71, %dma_start3A_72] : memref<8x2048x16x128xf32, #tpu.memory_space<hbm>> -> memref<1x2048x16x128xf32, #tpu.memory_space<hbm>>
    %dma_start3A_74 = tpu.memref_squeeze %dma_start3A_73 : memref<1x2048x16x128xf32, #tpu.memory_space<hbm>> -> memref<2048x16x128xf32, #tpu.memory_space<hbm>>
    tpu.enqueue_dma source(%arg5 : memref<2048x16x128xf32, #tpu.memory_space<vmem>>) target(%dma_start3A_74 : memref<2048x16x128xf32, #tpu.memory_space<hbm>>) target_semaphore(%dma_start3A_69 : memref<!tpu.dma_semaphore, #tpu.memory_space<semaphore_mem>>)
    %get3A = arith.constant 0 : index
    %get3A_75 = memref.load %arg0[%get3A] : memref<1xi32, #tpu.memory_space<smem>>
    %iota3A = tpu.iota {dimensions = array<i32: 3>} : vector<8x1x32x2048xi32>
    %get3A_76 = arith.constant 0 : index
    %get3A_77 = arith.constant 0 : index
    %get3A_78 = arith.constant 0 : index
    %get3A_79 = arith.constant 0 : index
    %get3A_80 = vector.load %arg2[%get3A_76, %get3A_77, %get3A_78, %get3A_79] : memref<8x1x32x2048xi32, #tpu.memory_space<vmem>>, vector<8x1x32x2048xi32>
    %get3A_81 = arith.constant dense<0> : vector<8x1x32x2048xi32>
    %get3A_82 = arith.cmpi ne, %get3A_80, %get3A_81 : vector<8x1x32x2048xi32>
    %add3A = arith.constant 32 : i32
    %add3A_83 = arith.addi %get3A_75, %add3A : i32
    %lt3A = vector.broadcast %add3A_83 : i32 to vector<8x1x32x2048xi32>
    %lt3A_84 = arith.cmpi slt, %iota3A, %lt3A : vector<8x1x32x2048xi32>
    %and3A = arith.andi %get3A_82, %lt3A_84 : vector<8x1x32x2048xi1>
    %swap3A_85 = arith.constant 0 : index
    %swap3A_86 = arith.constant 0 : index
    %swap3A_87 = arith.constant 0 : index
    %swap3A_88 = arith.constant 0 : index
    %swap3A_89 = vector.load %arg4[%swap3A_85, %swap3A_86, %swap3A_87, %swap3A_88] : memref<8x1x32x2048xi32, #tpu.memory_space<vmem>>, vector<8x1x32x2048xi32>
    %swap3A_90 = arith.extui %and3A : vector<8x1x32x2048xi1> to vector<8x1x32x2048xi32>
    %swap3A_91 = arith.constant dense<0> : vector<8x1x32x2048xi32>
    %swap3A_92 = arith.cmpi ne, %swap3A_89, %swap3A_91 : vector<8x1x32x2048xi32>
    tpu.vector_store %arg4[%swap3A_85, %swap3A_86, %swap3A_87, %swap3A_88], %swap3A_90 {strides = array<i32>} : memref<8x1x32x2048xi32, #tpu.memory_space<vmem>>, vector<8x1x32x2048xi32>,
    %dma_wait3A = arith.constant 0 : i32
    %dma_wait3A_93 = arith.constant 0 : i32
    %dma_wait3A_94 = tpu.memref_slice %arg6[%dma_wait3A_93] : memref<8x!tpu.dma_semaphore, #tpu.memory_space<semaphore_mem>> -> memref<1x!tpu.dma_semaphore, #tpu.memory_space<semaphore_mem>>
    %dma_wait3A_95 = tpu.memref_squeeze %dma_wait3A_94 : memref<1x!tpu.dma_semaphore, #tpu.memory_space<semaphore_mem>> -> memref<!tpu.dma_semaphore, #tpu.memory_space<semaphore_mem>>
    %dma_wait3A_96 = arith.constant 0 : i32
    %dma_wait3A_97 = arith.constant 0 : i32
    %dma_wait3A_98 = arith.constant 0 : i32
    %dma_wait3A_99 = tpu.memref_slice %arg3[%dma_wait3A, %dma_wait3A_96, %dma_wait3A_97, %dma_wait3A_98] : memref<8x2048x16x128xf32, #tpu.memory_space<hbm>> -> memref<1x2048x16x128xf32, #tpu.memory_space<hbm>>
    %dma_wait3A_100 = tpu.memref_squeeze %dma_wait3A_99 : memref<1x2048x16x128xf32, #tpu.memory_space<hbm>> -> memref<2048x16x128xf32, #tpu.memory_space<hbm>>
    tpu.wait_dma2 semaphore(%dma_wait3A_95 : memref<!tpu.dma_semaphore, #tpu.memory_space<semaphore_mem>>) src(%arg5 : memref<2048x16x128xf32, #tpu.memory_space<vmem>>) dst(%dma_wait3A_100 : memref<2048x16x128xf32, #tpu.memory_space<hbm>>)
    %dma_wait3A_101 = arith.constant 1 : i32
    %dma_wait3A_102 = arith.constant 1 : i32
    %dma_wait3A_103 = tpu.memref_slice %arg6[%dma_wait3A_102] : memref<8x!tpu.dma_semaphore, #tpu.memory_space<semaphore_mem>> -> memref<1x!tpu.dma_semaphore, #tpu.memory_space<semaphore_mem>>
    %dma_wait3A_104 = tpu.memref_squeeze %dma_wait3A_103 : memref<1x!tpu.dma_semaphore, #tpu.memory_space<semaphore_mem>> -> memref<!tpu.dma_semaphore, #tpu.memory_space<semaphore_mem>>
    %dma_wait3A_105 = arith.constant 0 : i32
    %dma_wait3A_106 = arith.constant 0 : i32
    %dma_wait3A_107 = arith.constant 0 : i32
    %dma_wait3A_108 = tpu.memref_slice %arg3[%dma_wait3A_101, %dma_wait3A_105, %dma_wait3A_106, %dma_wait3A_107] : memref<8x2048x16x128xf32, #tpu.memory_space<hbm>> -> memref<1x2048x16x128xf32, #tpu.memory_space<hbm>>
    %dma_wait3A_109 = tpu.memref_squeeze %dma_wait3A_108 : memref<1x2048x16x128xf32, #tpu.memory_space<hbm>> -> memref<2048x16x128xf32, #tpu.memory_space<hbm>>
    tpu.wait_dma2 semaphore(%dma_wait3A_104 : memref<!tpu.dma_semaphore, #tpu.memory_space<semaphore_mem>>) src(%arg5 : memref<2048x16x128xf32, #tpu.memory_space<vmem>>) dst(%dma_wait3A_109 : memref<2048x16x128xf32, #tpu.memory_space<hbm>>)
    %dma_wait3A_110 = arith.constant 2 : i32
    %dma_wait3A_111 = arith.constant 2 : i32
    %dma_wait3A_112 = tpu.memref_slice %arg6[%dma_wait3A_111] : memref<8x!tpu.dma_semaphore, #tpu.memory_space<semaphore_mem>> -> memref<1x!tpu.dma_semaphore, #tpu.memory_space<semaphore_mem>>
    %dma_wait3A_113 = tpu.memref_squeeze %dma_wait3A_112 : memref<1x!tpu.dma_semaphore, #tpu.memory_space<semaphore_mem>> -> memref<!tpu.dma_semaphore, #tpu.memory_space<semaphore_mem>>
    %dma_wait3A_114 = arith.constant 0 : i32
    %dma_wait3A_115 = arith.constant 0 : i32
    %dma_wait3A_116 = arith.constant 0 : i32
    %dma_wait3A_117 = tpu.memref_slice %arg3[%dma_wait3A_110, %dma_wait3A_114, %dma_wait3A_115, %dma_wait3A_116] : memref<8x2048x16x128xf32, #tpu.memory_space<hbm>> -> memref<1x2048x16x128xf32, #tpu.memory_space<hbm>>
    %dma_wait3A_118 = tpu.memref_squeeze %dma_wait3A_117 : memref<1x2048x16x128xf32, #tpu.memory_space<hbm>> -> memref<2048x16x128xf32, #tpu.memory_space<hbm>>
    tpu.wait_dma2 semaphore(%dma_wait3A_113 : memref<!tpu.dma_semaphore, #tpu.memory_space<semaphore_mem>>) src(%arg5 : memref<2048x16x128xf32, #tpu.memory_space<vmem>>) dst(%dma_wait3A_118 : memref<2048x16x128xf32, #tpu.memory_space<hbm>>)
    %dma_wait3A_119 = arith.constant 3 : i32
    %dma_wait3A_120 = arith.constant 3 : i32
    %dma_wait3A_121 = tpu.memref_slice %arg6[%dma_wait3A_120] : memref<8x!tpu.dma_semaphore, #tpu.memory_space<semaphore_mem>> -> memref<1x!tpu.dma_semaphore, #tpu.memory_space<semaphore_mem>>
    %dma_wait3A_122 = tpu.memref_squeeze %dma_wait3A_121 : memref<1x!tpu.dma_semaphore, #tpu.memory_space<semaphore_mem>> -> memref<!tpu.dma_semaphore, #tpu.memory_space<semaphore_mem>>
    %dma_wait3A_123 = arith.constant 0 : i32
    %dma_wait3A_124 = arith.constant 0 : i32
    %dma_wait3A_125 = arith.constant 0 : i32
    %dma_wait3A_126 = tpu.memref_slice %arg3[%dma_wait3A_119, %dma_wait3A_123, %dma_wait3A_124, %dma_wait3A_125] : memref<8x2048x16x128xf32, #tpu.memory_space<hbm>> -> memref<1x2048x16x128xf32, #tpu.memory_space<hbm>>
    %dma_wait3A_127 = tpu.memref_squeeze %dma_wait3A_126 : memref<1x2048x16x128xf32, #tpu.memory_space<hbm>> -> memref<2048x16x128xf32, #tpu.memory_space<hbm>>
    tpu.wait_dma2 semaphore(%dma_wait3A_122 : memref<!tpu.dma_semaphore, #tpu.memory_space<semaphore_mem>>) src(%arg5 : memref<2048x16x128xf32, #tpu.memory_space<vmem>>) dst(%dma_wait3A_127 : memref<2048x16x128xf32, #tpu.memory_space<hbm>>)
    %dma_wait3A_128 = arith.constant 4 : i32
    %dma_wait3A_129 = arith.constant 4 : i32
    %dma_wait3A_130 = tpu.memref_slice %arg6[%dma_wait3A_129] : memref<8x!tpu.dma_semaphore, #tpu.memory_space<semaphore_mem>> -> memref<1x!tpu.dma_semaphore, #tpu.memory_space<semaphore_mem>>
    %dma_wait3A_131 = tpu.memref_squeeze %dma_wait3A_130 : memref<1x!tpu.dma_semaphore, #tpu.memory_space<semaphore_mem>> -> memref<!tpu.dma_semaphore, #tpu.memory_space<semaphore_mem>>
    %dma_wait3A_132 = arith.constant 0 : i32
    %dma_wait3A_133 = arith.constant 0 : i32
    %dma_wait3A_134 = arith.constant 0 : i32
    %dma_wait3A_135 = tpu.memref_slice %arg3[%dma_wait3A_128, %dma_wait3A_132, %dma_wait3A_133, %dma_wait3A_134] : memref<8x2048x16x128xf32, #tpu.memory_space<hbm>> -> memref<1x2048x16x128xf32, #tpu.memory_space<hbm>>
    %dma_wait3A_136 = tpu.memref_squeeze %dma_wait3A_135 : memref<1x2048x16x128xf32, #tpu.memory_space<hbm>> -> memref<2048x16x128xf32, #tpu.memory_space<hbm>>
    tpu.wait_dma2 semaphore(%dma_wait3A_131 : memref<!tpu.dma_semaphore, #tpu.memory_space<semaphore_mem>>) src(%arg5 : memref<2048x16x128xf32, #tpu.memory_space<vmem>>) dst(%dma_wait3A_136 : memref<2048x16x128xf32, #tpu.memory_space<hbm>>)
    %dma_wait3A_137 = arith.constant 5 : i32
    %dma_wait3A_138 = arith.constant 5 : i32
    %dma_wait3A_139 = tpu.memref_slice %arg6[%dma_wait3A_138] : memref<8x!tpu.dma_semaphore, #tpu.memory_space<semaphore_mem>> -> memref<1x!tpu.dma_semaphore, #tpu.memory_space<semaphore_mem>>
    %dma_wait3A_140 = tpu.memref_squeeze %dma_wait3A_139 : memref<1x!tpu.dma_semaphore, #tpu.memory_space<semaphore_mem>> -> memref<!tpu.dma_semaphore, #tpu.memory_space<semaphore_mem>>
    %dma_wait3A_141 = arith.constant 0 : i32
    %dma_wait3A_142 = arith.constant 0 : i32
    %dma_wait3A_143 = arith.constant 0 : i32
    %dma_wait3A_144 = tpu.memref_slice %arg3[%dma_wait3A_137, %dma_wait3A_141, %dma_wait3A_142, %dma_wait3A_143] : memref<8x2048x16x128xf32, #tpu.memory_space<hbm>> -> memref<1x2048x16x128xf32, #tpu.memory_space<hbm>>
    %dma_wait3A_145 = tpu.memref_squeeze %dma_wait3A_144 : memref<1x2048x16x128xf32, #tpu.memory_space<hbm>> -> memref<2048x16x128xf32, #tpu.memory_space<hbm>>
    tpu.wait_dma2 semaphore(%dma_wait3A_140 : memref<!tpu.dma_semaphore, #tpu.memory_space<semaphore_mem>>) src(%arg5 : memref<2048x16x128xf32, #tpu.memory_space<vmem>>) dst(%dma_wait3A_145 : memref<2048x16x128xf32, #tpu.memory_space<hbm>>)
    %dma_wait3A_146 = arith.constant 6 : i32
    %dma_wait3A_147 = arith.constant 6 : i32
    %dma_wait3A_148 = tpu.memref_slice %arg6[%dma_wait3A_147] : memref<8x!tpu.dma_semaphore, #tpu.memory_space<semaphore_mem>> -> memref<1x!tpu.dma_semaphore, #tpu.memory_space<semaphore_mem>>
    %dma_wait3A_149 = tpu.memref_squeeze %dma_wait3A_148 : memref<1x!tpu.dma_semaphore, #tpu.memory_space<semaphore_mem>> -> memref<!tpu.dma_semaphore, #tpu.memory_space<semaphore_mem>>
    %dma_wait3A_150 = arith.constant 0 : i32
    %dma_wait3A_151 = arith.constant 0 : i32
    %dma_wait3A_152 = arith.constant 0 : i32
    %dma_wait3A_153 = tpu.memref_slice %arg3[%dma_wait3A_146, %dma_wait3A_150, %dma_wait3A_151, %dma_wait3A_152] : memref<8x2048x16x128xf32, #tpu.memory_space<hbm>> -> memref<1x2048x16x128xf32, #tpu.memory_space<hbm>>
    %dma_wait3A_154 = tpu.memref_squeeze %dma_wait3A_153 : memref<1x2048x16x128xf32, #tpu.memory_space<hbm>> -> memref<2048x16x128xf32, #tpu.memory_space<hbm>>
    tpu.wait_dma2 semaphore(%dma_wait3A_149 : memref<!tpu.dma_semaphore, #tpu.memory_space<semaphore_mem>>) src(%arg5 : memref<2048x16x128xf32, #tpu.memory_space<vmem>>) dst(%dma_wait3A_154 : memref<2048x16x128xf32, #tpu.memory_space<hbm>>)
    %dma_wait3A_155 = arith.constant 7 : i32
    %dma_wait3A_156 = arith.constant 7 : i32
    %dma_wait3A_157 = tpu.memref_slice %arg6[%dma_wait3A_156] : memref<8x!tpu.dma_semaphore, #tpu.memory_space<semaphore_mem>> -> memref<1x!tpu.dma_semaphore, #tpu.memory_space<semaphore_mem>>
    %dma_wait3A_158 = tpu.memref_squeeze %dma_wait3A_157 : memref<1x!tpu.dma_semaphore, #tpu.memory_space<semaphore_mem>> -> memref<!tpu.dma_semaphore, #tpu.memory_space<semaphore_mem>>
    %dma_wait3A_159 = arith.constant 0 : i32
    %dma_wait3A_160 = arith.constant 0 : i32
    %dma_wait3A_161 = arith.constant 0 : i32
    %dma_wait3A_162 = tpu.memref_slice %arg3[%dma_wait3A_155, %dma_wait3A_159, %dma_wait3A_160, %dma_wait3A_161] : memref<8x2048x16x128xf32, #tpu.memory_space<hbm>> -> memref<1x2048x16x128xf32, #tpu.memory_space<hbm>>
    %dma_wait3A_163 = tpu.memref_squeeze %dma_wait3A_162 : memref<1x2048x16x128xf32, #tpu.memory_space<hbm>> -> memref<2048x16x128xf32, #tpu.memory_space<hbm>>
    tpu.wait_dma2 semaphore(%dma_wait3A_158 : memref<!tpu.dma_semaphore, #tpu.memory_space<semaphore_mem>>) src(%arg5 : memref<2048x16x128xf32, #tpu.memory_space<vmem>>) dst(%dma_wait3A_163 : memref<2048x16x128xf32, #tpu.memory_space<hbm>>)
    %jit3A = arith.constant 0 : i32
    %jit3A_164 = arith.constant 2016 : i32
    %max3A = arith.maxsi %jit3A, %get3A_75 : i32
    %min3A = arith.minsi %jit3A_164, %max3A : i32
    %multiple_of3A = tpu.assume_multiple %min3A, 8 : i32
    %dma_start3A_165 = arith.constant 0 : i32
    %dma_start3A_166 = arith.constant 0 : i32
    %dma_start3A_167 = arith.constant 0 : i32
    %dma_start3A_168 = arith.constant 0 : i32
    %dma_start3A_169 = tpu.memref_slice %arg3[%dma_start3A_166, %multiple_of3A, %dma_start3A_167, %dma_start3A_168] : memref<8x2048x16x128xf32, #tpu.memory_space<hbm>> -> memref<1x32x16x128xf32, #tpu.memory_space<hbm>>
    %dma_start3A_170 = tpu.memref_squeeze %dma_start3A_169 : memref<1x32x16x128xf32, #tpu.memory_space<hbm>> -> memref<32x16x128xf32, #tpu.memory_space<hbm>>
    %dma_start3A_171 = arith.constant 0 : i32
    %dma_start3A_172 = arith.constant 0 : i32
    %dma_start3A_173 = arith.constant 0 : i32
    %dma_start3A_174 = tpu.memref_slice %arg1[%dma_start3A_165, %dma_start3A_171, %dma_start3A_172, %dma_start3A_173] : memref<8x32x16x128xf32, #tpu.memory_space<vmem>> -> memref<1x32x16x128xf32, #tpu.memory_space<vmem>>
    %dma_start3A_175 = tpu.memref_squeeze %dma_start3A_174 : memref<1x32x16x128xf32, #tpu.memory_space<vmem>> -> memref<32x16x128xf32, #tpu.memory_space<vmem>>
    tpu.enqueue_dma source(%dma_start3A_175 : memref<32x16x128xf32, #tpu.memory_space<vmem>>) target(%dma_start3A_170 : memref<32x16x128xf32, #tpu.memory_space<hbm>>) target_semaphore(%arg7 : memref<!tpu.dma_semaphore, #tpu.memory_space<semaphore_mem>>)
    %dma_start3A_176 = arith.constant 1 : i32
    %dma_start3A_177 = arith.constant 1 : i32
    %dma_start3A_178 = arith.constant 0 : i32
    %dma_start3A_179 = arith.constant 0 : i32
    %dma_start3A_180 = tpu.memref_slice %arg3[%dma_start3A_177, %multiple_of3A, %dma_start3A_178, %dma_start3A_179] : memref<8x2048x16x128xf32, #tpu.memory_space<hbm>> -> memref<1x32x16x128xf32, #tpu.memory_space<hbm>>
    %dma_start3A_181 = tpu.memref_squeeze %dma_start3A_180 : memref<1x32x16x128xf32, #tpu.memory_space<hbm>> -> memref<32x16x128xf32, #tpu.memory_space<hbm>>
    %dma_start3A_182 = arith.constant 0 : i32
    %dma_start3A_183 = arith.constant 0 : i32
    %dma_start3A_184 = arith.constant 0 : i32
    %dma_start3A_185 = tpu.memref_slice %arg1[%dma_start3A_176, %dma_start3A_182, %dma_start3A_183, %dma_start3A_184] : memref<8x32x16x128xf32, #tpu.memory_space<vmem>> -> memref<1x32x16x128xf32, #tpu.memory_space<vmem>>
    %dma_start3A_186 = tpu.memref_squeeze %dma_start3A_185 : memref<1x32x16x128xf32, #tpu.memory_space<vmem>> -> memref<32x16x128xf32, #tpu.memory_space<vmem>>
    tpu.enqueue_dma source(%dma_start3A_186 : memref<32x16x128xf32, #tpu.memory_space<vmem>>) target(%dma_start3A_181 : memref<32x16x128xf32, #tpu.memory_space<hbm>>) target_semaphore(%arg7 : memref<!tpu.dma_semaphore, #tpu.memory_space<semaphore_mem>>)
    %dma_start3A_187 = arith.constant 2 : i32
    %dma_start3A_188 = arith.constant 2 : i32
    %dma_start3A_189 = arith.constant 0 : i32
    %dma_start3A_190 = arith.constant 0 : i32
    %dma_start3A_191 = tpu.memref_slice %arg3[%dma_start3A_188, %multiple_of3A, %dma_start3A_189, %dma_start3A_190] : memref<8x2048x16x128xf32, #tpu.memory_space<hbm>> -> memref<1x32x16x128xf32, #tpu.memory_space<hbm>>
    %dma_start3A_192 = tpu.memref_squeeze %dma_start3A_191 : memref<1x32x16x128xf32, #tpu.memory_space<hbm>> -> memref<32x16x128xf32, #tpu.memory_space<hbm>>
    %dma_start3A_193 = arith.constant 0 : i32
    %dma_start3A_194 = arith.constant 0 : i32
    %dma_start3A_195 = arith.constant 0 : i32
    %dma_start3A_196 = tpu.memref_slice %arg1[%dma_start3A_187, %dma_start3A_193, %dma_start3A_194, %dma_start3A_195] : memref<8x32x16x128xf32, #tpu.memory_space<vmem>> -> memref<1x32x16x128xf32, #tpu.memory_space<vmem>>
    %dma_start3A_197 = tpu.memref_squeeze %dma_start3A_196 : memref<1x32x16x128xf32, #tpu.memory_space<vmem>> -> memref<32x16x128xf32, #tpu.memory_space<vmem>>
    tpu.enqueue_dma source(%dma_start3A_197 : memref<32x16x128xf32, #tpu.memory_space<vmem>>) target(%dma_start3A_192 : memref<32x16x128xf32, #tpu.memory_space<hbm>>) target_semaphore(%arg7 : memref<!tpu.dma_semaphore, #tpu.memory_space<semaphore_mem>>)
    %dma_start3A_198 = arith.constant 3 : i32
    %dma_start3A_199 = arith.constant 3 : i32
    %dma_start3A_200 = arith.constant 0 : i32
    %dma_start3A_201 = arith.constant 0 : i32
    %dma_start3A_202 = tpu.memref_slice %arg3[%dma_start3A_199, %multiple_of3A, %dma_start3A_200, %dma_start3A_201] : memref<8x2048x16x128xf32, #tpu.memory_space<hbm>> -> memref<1x32x16x128xf32, #tpu.memory_space<hbm>>
    %dma_start3A_203 = tpu.memref_squeeze %dma_start3A_202 : memref<1x32x16x128xf32, #tpu.memory_space<hbm>> -> memref<32x16x128xf32, #tpu.memory_space<hbm>>
    %dma_start3A_204 = arith.constant 0 : i32
    %dma_start3A_205 = arith.constant 0 : i32
    %dma_start3A_206 = arith.constant 0 : i32
    %dma_start3A_207 = tpu.memref_slice %arg1[%dma_start3A_198, %dma_start3A_204, %dma_start3A_205, %dma_start3A_206] : memref<8x32x16x128xf32, #tpu.memory_space<vmem>> -> memref<1x32x16x128xf32, #tpu.memory_space<vmem>>
    %dma_start3A_208 = tpu.memref_squeeze %dma_start3A_207 : memref<1x32x16x128xf32, #tpu.memory_space<vmem>> -> memref<32x16x128xf32, #tpu.memory_space<vmem>>
    tpu.enqueue_dma source(%dma_start3A_208 : memref<32x16x128xf32, #tpu.memory_space<vmem>>) target(%dma_start3A_203 : memref<32x16x128xf32, #tpu.memory_space<hbm>>) target_semaphore(%arg7 : memref<!tpu.dma_semaphore, #tpu.memory_space<semaphore_mem>>)
    %dma_start3A_209 = arith.constant 4 : i32
    %dma_start3A_210 = arith.constant 4 : i32
    %dma_start3A_211 = arith.constant 0 : i32
    %dma_start3A_212 = arith.constant 0 : i32
    %dma_start3A_213 = tpu.memref_slice %arg3[%dma_start3A_210, %multiple_of3A, %dma_start3A_211, %dma_start3A_212] : memref<8x2048x16x128xf32, #tpu.memory_space<hbm>> -> memref<1x32x16x128xf32, #tpu.memory_space<hbm>>
    %dma_start3A_214 = tpu.memref_squeeze %dma_start3A_213 : memref<1x32x16x128xf32, #tpu.memory_space<hbm>> -> memref<32x16x128xf32, #tpu.memory_space<hbm>>
    %dma_start3A_215 = arith.constant 0 : i32
    %dma_start3A_216 = arith.constant 0 : i32
    %dma_start3A_217 = arith.constant 0 : i32
    %dma_start3A_218 = tpu.memref_slice %arg1[%dma_start3A_209, %dma_start3A_215, %dma_start3A_216, %dma_start3A_217] : memref<8x32x16x128xf32, #tpu.memory_space<vmem>> -> memref<1x32x16x128xf32, #tpu.memory_space<vmem>>
    %dma_start3A_219 = tpu.memref_squeeze %dma_start3A_218 : memref<1x32x16x128xf32, #tpu.memory_space<vmem>> -> memref<32x16x128xf32, #tpu.memory_space<vmem>>
    tpu.enqueue_dma source(%dma_start3A_219 : memref<32x16x128xf32, #tpu.memory_space<vmem>>) target(%dma_start3A_214 : memref<32x16x128xf32, #tpu.memory_space<hbm>>) target_semaphore(%arg7 : memref<!tpu.dma_semaphore, #tpu.memory_space<semaphore_mem>>)
    %dma_start3A_220 = arith.constant 5 : i32
    %dma_start3A_221 = arith.constant 5 : i32
    %dma_start3A_222 = arith.constant 0 : i32
    %dma_start3A_223 = arith.constant 0 : i32
    %dma_start3A_224 = tpu.memref_slice %arg3[%dma_start3A_221, %multiple_of3A, %dma_start3A_222, %dma_start3A_223] : memref<8x2048x16x128xf32, #tpu.memory_space<hbm>> -> memref<1x32x16x128xf32, #tpu.memory_space<hbm>>
    %dma_start3A_225 = tpu.memref_squeeze %dma_start3A_224 : memref<1x32x16x128xf32, #tpu.memory_space<hbm>> -> memref<32x16x128xf32, #tpu.memory_space<hbm>>
    %dma_start3A_226 = arith.constant 0 : i32
    %dma_start3A_227 = arith.constant 0 : i32
    %dma_start3A_228 = arith.constant 0 : i32
    %dma_start3A_229 = tpu.memref_slice %arg1[%dma_start3A_220, %dma_start3A_226, %dma_start3A_227, %dma_start3A_228] : memref<8x32x16x128xf32, #tpu.memory_space<vmem>> -> memref<1x32x16x128xf32, #tpu.memory_space<vmem>>
    %dma_start3A_230 = tpu.memref_squeeze %dma_start3A_229 : memref<1x32x16x128xf32, #tpu.memory_space<vmem>> -> memref<32x16x128xf32, #tpu.memory_space<vmem>>
    tpu.enqueue_dma source(%dma_start3A_230 : memref<32x16x128xf32, #tpu.memory_space<vmem>>) target(%dma_start3A_225 : memref<32x16x128xf32, #tpu.memory_space<hbm>>) target_semaphore(%arg7 : memref<!tpu.dma_semaphore, #tpu.memory_space<semaphore_mem>>)
    %dma_start3A_231 = arith.constant 6 : i32
    %dma_start3A_232 = arith.constant 6 : i32
    %dma_start3A_233 = arith.constant 0 : i32
    %dma_start3A_234 = arith.constant 0 : i32
    %dma_start3A_235 = tpu.memref_slice %arg3[%dma_start3A_232, %multiple_of3A, %dma_start3A_233, %dma_start3A_234] : memref<8x2048x16x128xf32, #tpu.memory_space<hbm>> -> memref<1x32x16x128xf32, #tpu.memory_space<hbm>>
    %dma_start3A_236 = tpu.memref_squeeze %dma_start3A_235 : memref<1x32x16x128xf32, #tpu.memory_space<hbm>> -> memref<32x16x128xf32, #tpu.memory_space<hbm>>
    %dma_start3A_237 = arith.constant 0 : i32
    %dma_start3A_238 = arith.constant 0 : i32
    %dma_start3A_239 = arith.constant 0 : i32
    %dma_start3A_240 = tpu.memref_slice %arg1[%dma_start3A_231, %dma_start3A_237, %dma_start3A_238, %dma_start3A_239] : memref<8x32x16x128xf32, #tpu.memory_space<vmem>> -> memref<1x32x16x128xf32, #tpu.memory_space<vmem>>
    %dma_start3A_241 = tpu.memref_squeeze %dma_start3A_240 : memref<1x32x16x128xf32, #tpu.memory_space<vmem>> -> memref<32x16x128xf32, #tpu.memory_space<vmem>>
    tpu.enqueue_dma source(%dma_start3A_241 : memref<32x16x128xf32, #tpu.memory_space<vmem>>) target(%dma_start3A_236 : memref<32x16x128xf32, #tpu.memory_space<hbm>>) target_semaphore(%arg7 : memref<!tpu.dma_semaphore, #tpu.memory_space<semaphore_mem>>)
    %dma_start3A_242 = arith.constant 7 : i32
    %dma_start3A_243 = arith.constant 7 : i32
    %dma_start3A_244 = arith.constant 0 : i32
    %dma_start3A_245 = arith.constant 0 : i32
    %dma_start3A_246 = tpu.memref_slice %arg3[%dma_start3A_243, %multiple_of3A, %dma_start3A_244, %dma_start3A_245] : memref<8x2048x16x128xf32, #tpu.memory_space<hbm>> -> memref<1x32x16x128xf32, #tpu.memory_space<hbm>>
    %dma_start3A_247 = tpu.memref_squeeze %dma_start3A_246 : memref<1x32x16x128xf32, #tpu.memory_space<hbm>> -> memref<32x16x128xf32, #tpu.memory_space<hbm>>
    %dma_start3A_248 = arith.constant 0 : i32
    %dma_start3A_249 = arith.constant 0 : i32
    %dma_start3A_250 = arith.constant 0 : i32
    %dma_start3A_251 = tpu.memref_slice %arg1[%dma_start3A_242, %dma_start3A_248, %dma_start3A_249, %dma_start3A_250] : memref<8x32x16x128xf32, #tpu.memory_space<vmem>> -> memref<1x32x16x128xf32, #tpu.memory_space<vmem>>
    %dma_start3A_252 = tpu.memref_squeeze %dma_start3A_251 : memref<1x32x16x128xf32, #tpu.memory_space<vmem>> -> memref<32x16x128xf32, #tpu.memory_space<vmem>>
    tpu.enqueue_dma source(%dma_start3A_252 : memref<32x16x128xf32, #tpu.memory_space<vmem>>) target(%dma_start3A_247 : memref<32x16x128xf32, #tpu.memory_space<hbm>>) target_semaphore(%arg7 : memref<!tpu.dma_semaphore, #tpu.memory_space<semaphore_mem>>)
    %dma_wait3A_253 = arith.constant 0 : i32
    %dma_wait3A_254 = arith.constant 0 : i32
    %dma_wait3A_255 = arith.constant 0 : i32
    %dma_wait3A_256 = arith.constant 0 : i32
    %dma_wait3A_257 = tpu.memref_slice %arg3[%dma_wait3A_254, %multiple_of3A, %dma_wait3A_255, %dma_wait3A_256] : memref<8x2048x16x128xf32, #tpu.memory_space<hbm>> -> memref<1x32x16x128xf32, #tpu.memory_space<hbm>>
    %dma_wait3A_258 = tpu.memref_squeeze %dma_wait3A_257 : memref<1x32x16x128xf32, #tpu.memory_space<hbm>> -> memref<32x16x128xf32, #tpu.memory_space<hbm>>
    %dma_wait3A_259 = arith.constant 0 : i32
    %dma_wait3A_260 = arith.constant 0 : i32
    %dma_wait3A_261 = arith.constant 0 : i32
    %dma_wait3A_262 = tpu.memref_slice %arg1[%dma_wait3A_253, %dma_wait3A_259, %dma_wait3A_260, %dma_wait3A_261] : memref<8x32x16x128xf32, #tpu.memory_space<vmem>> -> memref<1x32x16x128xf32, #tpu.memory_space<vmem>>
    %dma_wait3A_263 = tpu.memref_squeeze %dma_wait3A_262 : memref<1x32x16x128xf32, #tpu.memory_space<vmem>> -> memref<32x16x128xf32, #tpu.memory_space<vmem>>
    tpu.wait_dma2 semaphore(%arg7 : memref<!tpu.dma_semaphore, #tpu.memory_space<semaphore_mem>>) src(%dma_wait3A_263 : memref<32x16x128xf32, #tpu.memory_space<vmem>>) dst(%dma_wait3A_258 : memref<32x16x128xf32, #tpu.memory_space<hbm>>)
    %dma_wait3A_264 = arith.constant 1 : i32
    %dma_wait3A_265 = arith.constant 1 : i32
    %dma_wait3A_266 = arith.constant 0 : i32
    %dma_wait3A_267 = arith.constant 0 : i32
    %dma_wait3A_268 = tpu.memref_slice %arg3[%dma_wait3A_265, %multiple_of3A, %dma_wait3A_266, %dma_wait3A_267] : memref<8x2048x16x128xf32, #tpu.memory_space<hbm>> -> memref<1x32x16x128xf32, #tpu.memory_space<hbm>>
    %dma_wait3A_269 = tpu.memref_squeeze %dma_wait3A_268 : memref<1x32x16x128xf32, #tpu.memory_space<hbm>> -> memref<32x16x128xf32, #tpu.memory_space<hbm>>
    %dma_wait3A_270 = arith.constant 0 : i32
    %dma_wait3A_271 = arith.constant 0 : i32
    %dma_wait3A_272 = arith.constant 0 : i32
    %dma_wait3A_273 = tpu.memref_slice %arg1[%dma_wait3A_264, %dma_wait3A_270, %dma_wait3A_271, %dma_wait3A_272] : memref<8x32x16x128xf32, #tpu.memory_space<vmem>> -> memref<1x32x16x128xf32, #tpu.memory_space<vmem>>
    %dma_wait3A_274 = tpu.memref_squeeze %dma_wait3A_273 : memref<1x32x16x128xf32, #tpu.memory_space<vmem>> -> memref<32x16x128xf32, #tpu.memory_space<vmem>>
    tpu.wait_dma2 semaphore(%arg7 : memref<!tpu.dma_semaphore, #tpu.memory_space<semaphore_mem>>) src(%dma_wait3A_274 : memref<32x16x128xf32, #tpu.memory_space<vmem>>) dst(%dma_wait3A_269 : memref<32x16x128xf32, #tpu.memory_space<hbm>>)
    %dma_wait3A_275 = arith.constant 2 : i32
    %dma_wait3A_276 = arith.constant 2 : i32
    %dma_wait3A_277 = arith.constant 0 : i32
    %dma_wait3A_278 = arith.constant 0 : i32
    %dma_wait3A_279 = tpu.memref_slice %arg3[%dma_wait3A_276, %multiple_of3A, %dma_wait3A_277, %dma_wait3A_278] : memref<8x2048x16x128xf32, #tpu.memory_space<hbm>> -> memref<1x32x16x128xf32, #tpu.memory_space<hbm>>
    %dma_wait3A_280 = tpu.memref_squeeze %dma_wait3A_279 : memref<1x32x16x128xf32, #tpu.memory_space<hbm>> -> memref<32x16x128xf32, #tpu.memory_space<hbm>>
    %dma_wait3A_281 = arith.constant 0 : i32
    %dma_wait3A_282 = arith.constant 0 : i32
    %dma_wait3A_283 = arith.constant 0 : i32
    %dma_wait3A_284 = tpu.memref_slice %arg1[%dma_wait3A_275, %dma_wait3A_281, %dma_wait3A_282, %dma_wait3A_283] : memref<8x32x16x128xf32, #tpu.memory_space<vmem>> -> memref<1x32x16x128xf32, #tpu.memory_space<vmem>>
    %dma_wait3A_285 = tpu.memref_squeeze %dma_wait3A_284 : memref<1x32x16x128xf32, #tpu.memory_space<vmem>> -> memref<32x16x128xf32, #tpu.memory_space<vmem>>
    tpu.wait_dma2 semaphore(%arg7 : memref<!tpu.dma_semaphore, #tpu.memory_space<semaphore_mem>>) src(%dma_wait3A_285 : memref<32x16x128xf32, #tpu.memory_space<vmem>>) dst(%dma_wait3A_280 : memref<32x16x128xf32, #tpu.memory_space<hbm>>)
    %dma_wait3A_286 = arith.constant 3 : i32
    %dma_wait3A_287 = arith.constant 3 : i32
    %dma_wait3A_288 = arith.constant 0 : i32
    %dma_wait3A_289 = arith.constant 0 : i32
    %dma_wait3A_290 = tpu.memref_slice %arg3[%dma_wait3A_287, %multiple_of3A, %dma_wait3A_288, %dma_wait3A_289] : memref<8x2048x16x128xf32, #tpu.memory_space<hbm>> -> memref<1x32x16x128xf32, #tpu.memory_space<hbm>>
    %dma_wait3A_291 = tpu.memref_squeeze %dma_wait3A_290 : memref<1x32x16x128xf32, #tpu.memory_space<hbm>> -> memref<32x16x128xf32, #tpu.memory_space<hbm>>
    %dma_wait3A_292 = arith.constant 0 : i32
    %dma_wait3A_293 = arith.constant 0 : i32
    %dma_wait3A_294 = arith.constant 0 : i32
    %dma_wait3A_295 = tpu.memref_slice %arg1[%dma_wait3A_286, %dma_wait3A_292, %dma_wait3A_293, %dma_wait3A_294] : memref<8x32x16x128xf32, #tpu.memory_space<vmem>> -> memref<1x32x16x128xf32, #tpu.memory_space<vmem>>
    %dma_wait3A_296 = tpu.memref_squeeze %dma_wait3A_295 : memref<1x32x16x128xf32, #tpu.memory_space<vmem>> -> memref<32x16x128xf32, #tpu.memory_space<vmem>>
    tpu.wait_dma2 semaphore(%arg7 : memref<!tpu.dma_semaphore, #tpu.memory_space<semaphore_mem>>) src(%dma_wait3A_296 : memref<32x16x128xf32, #tpu.memory_space<vmem>>) dst(%dma_wait3A_291 : memref<32x16x128xf32, #tpu.memory_space<hbm>>)
    %dma_wait3A_297 = arith.constant 4 : i32
    %dma_wait3A_298 = arith.constant 4 : i32
    %dma_wait3A_299 = arith.constant 0 : i32
    %dma_wait3A_300 = arith.constant 0 : i32
    %dma_wait3A_301 = tpu.memref_slice %arg3[%dma_wait3A_298, %multiple_of3A, %dma_wait3A_299, %dma_wait3A_300] : memref<8x2048x16x128xf32, #tpu.memory_space<hbm>> -> memref<1x32x16x128xf32, #tpu.memory_space<hbm>>
    %dma_wait3A_302 = tpu.memref_squeeze %dma_wait3A_301 : memref<1x32x16x128xf32, #tpu.memory_space<hbm>> -> memref<32x16x128xf32, #tpu.memory_space<hbm>>
    %dma_wait3A_303 = arith.constant 0 : i32
    %dma_wait3A_304 = arith.constant 0 : i32
    %dma_wait3A_305 = arith.constant 0 : i32
    %dma_wait3A_306 = tpu.memref_slice %arg1[%dma_wait3A_297, %dma_wait3A_303, %dma_wait3A_304, %dma_wait3A_305] : memref<8x32x16x128xf32, #tpu.memory_space<vmem>> -> memref<1x32x16x128xf32, #tpu.memory_space<vmem>>
    %dma_wait3A_307 = tpu.memref_squeeze %dma_wait3A_306 : memref<1x32x16x128xf32, #tpu.memory_space<vmem>> -> memref<32x16x128xf32, #tpu.memory_space<vmem>>
    tpu.wait_dma2 semaphore(%arg7 : memref<!tpu.dma_semaphore, #tpu.memory_space<semaphore_mem>>) src(%dma_wait3A_307 : memref<32x16x128xf32, #tpu.memory_space<vmem>>) dst(%dma_wait3A_302 : memref<32x16x128xf32, #tpu.memory_space<hbm>>)
    %dma_wait3A_308 = arith.constant 5 : i32
    %dma_wait3A_309 = arith.constant 5 : i32
    %dma_wait3A_310 = arith.constant 0 : i32
    %dma_wait3A_311 = arith.constant 0 : i32
    %dma_wait3A_312 = tpu.memref_slice %arg3[%dma_wait3A_309, %multiple_of3A, %dma_wait3A_310, %dma_wait3A_311] : memref<8x2048x16x128xf32, #tpu.memory_space<hbm>> -> memref<1x32x16x128xf32, #tpu.memory_space<hbm>>
    %dma_wait3A_313 = tpu.memref_squeeze %dma_wait3A_312 : memref<1x32x16x128xf32, #tpu.memory_space<hbm>> -> memref<32x16x128xf32, #tpu.memory_space<hbm>>
    %dma_wait3A_314 = arith.constant 0 : i32
    %dma_wait3A_315 = arith.constant 0 : i32
    %dma_wait3A_316 = arith.constant 0 : i32
    %dma_wait3A_317 = tpu.memref_slice %arg1[%dma_wait3A_308, %dma_wait3A_314, %dma_wait3A_315, %dma_wait3A_316] : memref<8x32x16x128xf32, #tpu.memory_space<vmem>> -> memref<1x32x16x128xf32, #tpu.memory_space<vmem>>
    %dma_wait3A_318 = tpu.memref_squeeze %dma_wait3A_317 : memref<1x32x16x128xf32, #tpu.memory_space<vmem>> -> memref<32x16x128xf32, #tpu.memory_space<vmem>>
    tpu.wait_dma2 semaphore(%arg7 : memref<!tpu.dma_semaphore, #tpu.memory_space<semaphore_mem>>) src(%dma_wait3A_318 : memref<32x16x128xf32, #tpu.memory_space<vmem>>) dst(%dma_wait3A_313 : memref<32x16x128xf32, #tpu.memory_space<hbm>>)
    %dma_wait3A_319 = arith.constant 6 : i32
    %dma_wait3A_320 = arith.constant 6 : i32
    %dma_wait3A_321 = arith.constant 0 : i32
    %dma_wait3A_322 = arith.constant 0 : i32
    %dma_wait3A_323 = tpu.memref_slice %arg3[%dma_wait3A_320, %multiple_of3A, %dma_wait3A_321, %dma_wait3A_322] : memref<8x2048x16x128xf32, #tpu.memory_space<hbm>> -> memref<1x32x16x128xf32, #tpu.memory_space<hbm>>
    %dma_wait3A_324 = tpu.memref_squeeze %dma_wait3A_323 : memref<1x32x16x128xf32, #tpu.memory_space<hbm>> -> memref<32x16x128xf32, #tpu.memory_space<hbm>>
    %dma_wait3A_325 = arith.constant 0 : i32
    %dma_wait3A_326 = arith.constant 0 : i32
    %dma_wait3A_327 = arith.constant 0 : i32
    %dma_wait3A_328 = tpu.memref_slice %arg1[%dma_wait3A_319, %dma_wait3A_325, %dma_wait3A_326, %dma_wait3A_327] : memref<8x32x16x128xf32, #tpu.memory_space<vmem>> -> memref<1x32x16x128xf32, #tpu.memory_space<vmem>>
    %dma_wait3A_329 = tpu.memref_squeeze %dma_wait3A_328 : memref<1x32x16x128xf32, #tpu.memory_space<vmem>> -> memref<32x16x128xf32, #tpu.memory_space<vmem>>
    tpu.wait_dma2 semaphore(%arg7 : memref<!tpu.dma_semaphore, #tpu.memory_space<semaphore_mem>>) src(%dma_wait3A_329 : memref<32x16x128xf32, #tpu.memory_space<vmem>>) dst(%dma_wait3A_324 : memref<32x16x128xf32, #tpu.memory_space<hbm>>)
    %dma_wait3A_330 = arith.constant 7 : i32
    %dma_wait3A_331 = arith.constant 7 : i32
    %dma_wait3A_332 = arith.constant 0 : i32
    %dma_wait3A_333 = arith.constant 0 : i32
    %dma_wait3A_334 = tpu.memref_slice %arg3[%dma_wait3A_331, %multiple_of3A, %dma_wait3A_332, %dma_wait3A_333] : memref<8x2048x16x128xf32, #tpu.memory_space<hbm>> -> memref<1x32x16x128xf32, #tpu.memory_space<hbm>>
    %dma_wait3A_335 = tpu.memref_squeeze %dma_wait3A_334 : memref<1x32x16x128xf32, #tpu.memory_space<hbm>> -> memref<32x16x128xf32, #tpu.memory_space<hbm>>
    %dma_wait3A_336 = arith.constant 0 : i32
    %dma_wait3A_337 = arith.constant 0 : i32
    %dma_wait3A_338 = arith.constant 0 : i32
    %dma_wait3A_339 = tpu.memref_slice %arg1[%dma_wait3A_330, %dma_wait3A_336, %dma_wait3A_337, %dma_wait3A_338] : memref<8x32x16x128xf32, #tpu.memory_space<vmem>> -> memref<1x32x16x128xf32, #tpu.memory_space<vmem>>
    %dma_wait3A_340 = tpu.memref_squeeze %dma_wait3A_339 : memref<1x32x16x128xf32, #tpu.memory_space<vmem>> -> memref<32x16x128xf32, #tpu.memory_space<vmem>>
    tpu.wait_dma2 semaphore(%arg7 : memref<!tpu.dma_semaphore, #tpu.memory_space<semaphore_mem>>) src(%dma_wait3A_340 : memref<32x16x128xf32, #tpu.memory_space<vmem>>) dst(%dma_wait3A_335 : memref<32x16x128xf32, #tpu.memory_space<hbm>>)
    return
  }
}

</mosaic_0001>

<sc_bundles>
// kernel: kernel.4.cloned.1.call-start
scs
__scs_entry_jumppad:
0x0: {  	(pc) =	sbr.rel $0x88, $3  }
0x1: {  	(tag) =	ssettag $0x0;
	lr =	simm.s32 $0x1  }
0x2: {  	[smem:$0x3F9C] =	sst lr;
	_ =	strace $0xD0000000  }
0x3: {  	_ = 	snop  }
0x4: {  	_ = 	snop  }
0x5: {  	_ = 	snop  }
0x6: {  	_ = 	snop  }
0x7: {  	_ = 	snop  }
__scs_overlays_trampoline_lowered:
0x8: {  	[smem:$0x3FAB] =	sst s0  }
0x9: {  	[smem:$0x3FAC] =	sst s1  }
0xa: {  	[smem:$0x3FAD] =	sst s2  }
0xb: {  	[smem:$0x3FAE] =	sst s3  }
0xc: {  	[smem:$0x3FAF] =	sst s4  }
0xd: {  	[smem:$0x3FB0] =	sst s5  }
0xe: {  	[smem:$0x3FB1] =	sst s6  }
0xf: {  	[smem:$0x3FB2] =	sst s7  }
0x10: {  	[smem:$0x3FB3] =	sst s8  }
0x11: {  	[smem:$0x3FB4] =	sst s9;
	s0 =	simm.s32 @!p0 $0x0  }
0x12: {  	s1 =	sld [smem:$0x3F9A];
	s0 =	simm.s32 @p0 $0x1  }
0x13: {  	[smem:$0x3FB5] =	sst s0;
	s0 =	simm.s32 @!p1 $0x0  }
0x14: {  	s2 =	sld [smem:$0x3F99];
	s0 =	simm.s32 @p1 $0x1  }
0x15: {  	[smem:$0x3FB6] =	sst s0;
	s0 =	simm.s32 @!p2 $0x0  }
0x16: {  	s3 =	sld [smem:$0x3FDB];
	s0 =	simm.s32 @p2 $0x1  }
0x17: {  	s4 =	simm.s32 $0x1BF5;
	[smem:$0x3FB8] =	sst s0  }
0x18: {  	s0 =	sld [smem:$0x3F9B];
	_ =	swait.ge [sflag:s4], $0x0  }
0x19: {  	s7 =	sld [smem:$0x3F9C]  }
0x1a: {  	s8 =	sadd.s32 $0xFFFFE003, lr  }
0x1b: {  	s9 =	sadd.s32 $0xFFFFFEF7, lr;
	s5 =	simm.s32 $0xFFFFFFFF;
	p2 =	slt.u32 s8, $0xFFFFF086  }
0x1c: {  	p1 =	slt.u32 s9, $0xF7A;
	s5 =	simm.s32 @!p2 $0x0  }
0x1d: {  	s5 =	simm.s32 @p1 $0x1;
	p0 =	seq.s32 s7, s2  }
0x1e: {  	s7 =	smul.u32 @!p0 $0xF7A, s2;
	p2 =	seq.s32 @!p0 s5, $0x0  }
0x1f: {  	s9 =	smul.u32 $0xF7A, s1;
	s8 =	simm.s32 @!p0 $0x1BF5;
	p2 =	por !p2, p0  }
0x20: {  	[sflag:s8] =	ssyncset.s32 @!p0 $0xFFFFF086;
	s6 =	sadd.s32 @!p0 s3, s7;
	s7 =	simm.s32 @!p0 $0x108  }
0x21: {  	s3 =	sadd.s32 s3, s9;
	s6 =	sadd.s32 @!p0 $0x88, s6;
	s7 =	simm.s32 @p2 $0x1082  }
0x22: {  	[simem:s7], [sflag:s8] =	dma.local @!p0 [hbm:s6], $0xF7A  }
0x23: {  	s9 =	sor.u32 $0xD0000000, s2;
	s6 =	simm.s32 $0x108;
	_ =	swait.ge @!p0 [sflag:s8], $0x0  }
0x24: {  	s3 =	sadd.s32 $0x88, s3;
	s6 =	simm.s32 @!p1 $0x1082;
	[sflag:s4] =	ssyncset.s32 $0xFFFFF086  }
0x25: {  	[simem:s6], [sflag:s4] =	dma.local [hbm:s3], $0xF7A  }
0x26: {  	[smem:$0x3F9C] =	sst s1;
	(tag) =	ssettag s2;
	_ =	strace s9  }
0x27: {  	s1 =	sld [smem:$0x3FAC]  }
0x28: {  	s2 =	sld [smem:$0x3FAD]  }
0x29: {  	s4 =	sld [smem:$0x3FAF]  }
0x2a: {  	p0 =	seq.s32 s5, $0x0;
	s5 =	sld [smem:$0x3FB0]  }
0x2b: {  	s6 =	sld [smem:$0x3FB1]  }
0x2c: {  	s7 =	sld [smem:$0x3FB2]  }
0x2d: {  	s3 =	simm.s32 $0x108;
	s8 =	sld [smem:$0x3FB3]  }
0x2e: {  	s3 =	simm.s32 @!p0 $0x1082;
	s9 =	sld [smem:$0x3FB4]  }
0x2f: {  	lr =	sadd.s32 s0, s3;
	s0 =	sld [smem:$0x3FAB]  }
0x30: {  	s3 =	sld [smem:$0x3FAE]  }
0x31: {  	[smem:$0x3FB7] =	sst s10  }
0x32: {  	s10 =	sld [smem:$0x3FB5];
	_ =	sdelay $0x3  }
0x33: {  	p0 =	seq.s32 s10, $0x1;
	s10 =	sld [smem:$0x3FB7];
	_ =	sdelay $0x3  }
0x34: {  	[smem:$0x3FB7] =	sst s10  }
0x35: {  	s10 =	sld [smem:$0x3FB6];
	_ =	sdelay $0x3  }
0x36: {  	p1 =	seq.s32 s10, $0x1;
	s10 =	sld [smem:$0x3FB7];
	_ =	sdelay $0x3  }
0x37: {  	[smem:$0x3FB7] =	sst s10  }
0x38: {  	s10 =	sld [smem:$0x3FB8]  }
0x39: {  	_ = 	snop;
	(pc) =	sbr.ind lr, $3  }
0x3a: {  	_ = 	snop  }
0x3b: {  	_ = 	snop  }
0x3c: {  	p2 =	seq.s32 s10, $0x1;
	s10 =	sld [smem:$0x3FB7]  }
0x3d: {  	_ =	shalt  }
0x3e: {  	_ =	shalt  }
0x3f: {  	_ =	shalt  }
0x40: {  	_ =	shalt  }
0x41: {  	_ =	shalt  }
0x42: {  	_ =	shalt  }
0x43: {  	_ =	shalt  }
0x44: {  	_ =	shalt  }
0x45: {  	_ =	shalt  }
0x46: {  	_ =	shalt  }
0x47: {  	_ =	shalt  }
0x48: {  	_ =	shalt  }
0x49: {  	_ =	shalt  }
0x4a: {  	_ =	shalt  }
0x4b: {  	_ =	shalt  }
0x4c: {  	_ =	shalt  }
0x4d: {  	_ =	shalt  }
0x4e: {  	_ =	shalt  }
0x4f: {  	_ =	shalt  }
0x50: {  	_ =	shalt  }
0x51: {  	_ =	shalt  }
0x52: {  	_ =	shalt  }
0x53: {  	_ =	shalt  }
0x54: {  	_ =	shalt  }
0x55: {  	_ =	shalt  }
0x56: {  	_ =	shalt  }
0x57: {  	_ =	shalt  }
0x58: {  	_ =	shalt  }
0x59: {  	_ =	shalt  }
0x5a: {  	_ =	shalt  }
0x5b: {  	_ =	shalt  }
0x5c: {  	_ =	shalt  }
0x5d: {  	_ =	shalt  }
0x5e: {  	_ =	shalt  }
0x5f: {  	_ =	shalt  }
0x60: {  	_ =	shalt  }
0x61: {  	_ =	shalt  }
0x62: {  	_ =	shalt  }
0x63: {  	_ =	shalt  }
0x64: {  	_ =	shalt  }
0x65: {  	_ =	shalt  }
0x66: {  	_ =	shalt  }
0x67: {  	_ =	shalt  }
0x68: {  	_ =	shalt  }
0x69: {  	_ =	shalt  }
0x6a: {  	_ =	shalt  }
0x6b: {  	_ =	shalt  }
0x6c: {  	_ =	shalt  }
0x6d: {  	_ =	shalt  }
0x6e: {  	_ =	shalt  }
0x6f: {  	_ =	shalt  }
0x70: {  	_ =	shalt  }
0x71: {  	_ =	shalt  }
0x72: {  	_ =	shalt  }
0x73: {  	_ =	shalt  }
0x74: {  	_ =	shalt  }
0x75: {  	_ =	shalt  }
0x76: {  	_ =	shalt  }
0x77: {  	_ =	shalt  }
0x78: {  	_ =	shalt  }
0x79: {  	_ =	shalt  }
0x7a: {  	_ =	shalt  }
0x7b: {  	_ =	shalt  }
0x7c: {  	_ =	shalt  }
0x7d: {  	_ =	shalt  }
0x7e: {  	_ =	shalt  }
0x7f: {  	_ =	shalt  }
0x80: {  	_ =	shalt  }
0x81: {  	_ =	shalt  }
0x82: {  	_ =	shalt  }
0x83: {  	_ =	shalt  }
0x84: {  	_ =	shalt  }
0x85: {  	_ =	shalt  }
0x86: {  	_ =	shalt  }
0x87: {  	_ =	shalt  }
.Lfunc_end0:
.L_simem_size_0:
called_computation_lowered:
.L_overlay_start_0:
0x88: {  	s2 =	sld [smem:$0x3FD9]  }
0x89: {  	s3 =	sld [smem:$0x3FFE];
	_ =	sdelay $0x1  }
0x8a: {  	s1 =	srdreg.scid  }
0x8b: {  	s0 =	sand.u32 $0x1, s1  }
0x8c: {  	s14 =	sshll.u32 s0, $0xA;
	s2 =	sadd.s32 s3, s2  }
0x8d: {  	s2 =	sadd.s32 s2, s14  }
0x8e: {  	[smem:$0x3FC3] =	sst s2  }
0x8f: {  	_ = 	snop  }
0x90: {  	s2 =	sld [smem:$0x3FD0];
	_ =	sdelay $0x1  }
0x91: {  	s15 =	sld [smem:$0x3FC8]  }
0x92: {  	s5 =	simm.s32 $0xA;
	s6 =	simm.s32 $0x10;
	s4 =	sld [smem:$0x3FC6]  }
0x93: {  	[smem:s6], [sflag:s5] =	dma.local [hbm:s2], $0x1  }
0x94: {  	_ =	swait.eq [sflag:s5], $0x1  }
0x95: {  	[sflag:s5] =	ssyncset.done $0x0  }
0x96: {  	[sflag:s5] =	ssyncadd.s32 $0xFFFFFFFF  }
0x97: {  	s16 =	sld [smem:$0x11];
	(tm) =	ssettm $0x1  }
0x98: {  	s17 =	sld [smem:$0x3FFB];
	_ =	sdelay $0x3  }
0x99: {  	_ =	strace s17  }
0x9a: {  	s5 =	sld [smem:$0x3FFC];
	_ =	sdelay $0x3  }
0x9b: {  	_ =	strace s5  }
0x9c: {  	s5 =	sld [smem:$0x3FFD];
	_ =	sdelay $0x3  }
0x9d: {  	_ =	strace s5  }
0x9e: {  	_ =	strace $0x8FFFFFFF  }
0x9f: {  	s18 =	sld [smem:$0x3FDB];
	_ =	sdelay $0x1  }
0xa0: {  	s19 =	simm.s32 $_scs_section_size  }
0xa1: {  	s7 =	simm.s32 $_size__tile_overlayer_lowered;
	s8 =	simm.s32 $_tile_overlayer_lowered  }
0xa2: {  	s22 =	simm.s32 $0x1BFF;
	s21 =	sshll.u32 s8, $0x1;
	s5 =	sadd.s32 s19, s18  }
0xa3: {  	s9 =	simm.s32 $0x0;
	s20 =	sshll.u32 s7, $0x1;
	s7 =	sadd.s32 s21, s5  }
0xa4: {  	[timem:s9], [sflag:s22] =	dma.local [hbm:s7], s20  }
0xa5: {  	_ =	swait.ge [sflag:s22], s20  }
0xa6: {  	s6 =	ssub.s32 $0x0, s20;
	[sflag:s22] =	ssyncset.done $0x0  }
0xa7: {  	[sflag:s22] =	ssyncadd.s32 s6;
	_ =	sdelay $0x1  }
0xa8: {  	s23 =	simm.s32 $0x1B8B  }
0xa9: {  	_ =	swait.ge [sflag:s23], $0x1  }
0xaa: {  	[sflag:s23] =	ssyncset.done $0x0  }
0xab: {  	s25 =	simm.s32 $0x1B8E;
	s24 =	sld [smem:$0x3FFE];
	[sflag:s23] =	ssyncadd.s32 $0xFFFFFFFF  }
0xac: {  	s26 =	simm.s32 $execute0_lowered;
	[smem:$0x3FD2] =	sst s25  }
0xad: {  	s7 =	sshll.u32 s26, $0x1;
	_ =	strace $0x80000046;
	[dreg:$0x1] =	wrdreg $0xFFFFFFFF  }
0xae: {  	s28 =	simm.s32 $_size_execute0_lowered;
	s5 =	sadd.s32 s5, s7;
	[dreg:$0x0] =	wrdreg $0x0  }
0xaf: {  	s7 =	sshll.u32 s28, $0x1;
	[dreg:$0x2] =	wrdreg s5  }
0xb0: {  	[dreg:$0x3] =	wrdreg s7  }
0xb1: {  	[dreg:$0x4] =	wrdreg $0xC0  }
0xb2: {  	_ =	task [dreg:s9], $0x5FFFF  }
0xb3: {  	[dreg:$0x1] =	wrdreg $0xFFFFFFFF  }
0xb4: {  	[dreg:$0x0] =	wrdreg $0x60  }
0xb5: {  	[dreg:$0x2] =	wrdreg s24  }
0xb6: {  	[dreg:$0x3] =	wrdreg s4  }
0xb7: {  	[dreg:$0x4] =	wrdreg s15  }
0xb8: {  	[dreg:$0x5] =	wrdreg s16  }
0xb9: {  	[dreg:$0x6] =	wrdreg $0x100800  }
0xba: {  	[dreg:$0x7] =	wrdreg $0x9  }
0xbb: {  	_ =	task.clear_ibuf [dreg:s9], $0x8FFFF;
	_ =	strace $0x90000046  }
0xbc: {  	s29 =	simm.s32 $0x9;
	_ =	strace $0x80000048  }
0xbd: {  	_ =	swait.ge [sflag:s29], $0x1  }
0xbe: {  	[sflag:s29] =	ssyncadd.s32 $0xFFFFFFFF  }
0xbf: {  	_ =	strace $0x90000048  }
0xc0: {  	_ =	sfence  }
0xc1: {  	s30 =	sld [smem:$0x0];
	_ =	sdelay $0x2  }
0xc2: {  	s31 =	sshll.u32 s1, $0xD;
	s1 =	sshrl.u32 s1, $0x2  }
0xc3: {  	s3 =	sand.u32 $0x4000, s31;
	s1 =	sadd.s32 s1, s30  }
0xc4: {  	s0 =	sor.u32 s3, s0;
	s1 =	sshll.u32 s1, $0x11  }
0xc5: {  	s0 =	sor.u32 s1, s0  }
0xc6: {  	s0 =	sadd.s32 $0x8F2B, s0  }
0xc7: {  	[sflag:s0] =	ssyncadd.remote.s32 $0x1  }
0xc8: {  	_ =	sfence.sel $0xFFFF  }
0xc9: {  	[dreg:$0x0] =	wrdreg $0xFFFFFFFF;
	(pc) =	sbr.abs _section_cstart, $3  }
0xca: {  	[dreg:$0x1] =	wrdreg $0xFFFFFFFF  }
0xcb: {  	_ =	task.clear_ibuf [dreg:s9], $0x2FFFF;
	_ =	strace $0x9FFFFFFF  }
0xcc: {  	(tm) =	ssettm $0x7FFFFFFF  }
0xcd: {  	_ =	shalt  }
tec
execute0_lowered:
.L_overlay_start_1:
0x0: {  	(tag) =	ssettag $0x1  }
0x1: {  	s4 =	rddreg [dreg:$0x0]  }
0x2: {  	s5 =	rddreg [dreg:$0x1]  }
0x3: {  	s11 =	rddreg [dreg:$0x2]  }
0x4: {  	s0 =	srdreg.scid;
	s2 =	rddreg [dreg:$0x3];
	s3 =	simm.s32 $0x1  }
0x5: {  	s15 =	rddreg [dreg:$0x4];
	s8 =	simm.s32 $0x0;
	s6 =	sand.u32 $0x1, s0  }
0x6: {  	s0 =	stileid.u32;
	[smem:$0x7FF] =	sst s8;
	s1 =	sshll.u32 s6, $0x4  }
0x7: {  	s4 =	sadd.s32 $0xA00, s4;
	s7 =	sand.u32 $0x3, s0;
	s1 =	sor.u32 s0, s1  }
0x8: {  	s22 =	ssub.s32 $0x2, s6;
	p1 =	sne.s32 s7, $0x0;
	p0 =	seq.s32 s1, $0x0  }
0x9: {  	s30 =	sshll.u32 s6, $0xF;
	s6 =	sshll.u32 s6, $0x12;
	p0 =	por !p1, !p0  }
0xa: {  	s12 =	sshll.u32 s7, $0x14;
	s24 =	sshrl.u32 s22, $0x1;
	p0 =	por !p0, !p0  }
0xb: {  	s11 =	sadd.s32 s11, s30;
	s9 =	sshrl.u32 s1, $0x2;
	s3 =	simm.s32 @!p0 $0x0  }
0xc: {  	s1 =	rddreg [dreg:$0x5];
	_ =	strace $0x80000047;
	s16 =	ssub.s32 s9, s3  }
0xd: {  	[dreg:$0x6] =	wrdreg s4;
	s4 =	sshll.u32 s7, $0x9;
	s3 =	sshll.u32 s16, $0x16  }
0xe: {  	s7 =	sor.u32 $0x1E0, s4;
	p1 =	por $0x0, $0x0;
	s9 =	sor.u32 s12, s3  }
0xf: {  	p0 =	sne.s32 s0, $0x0;
	s10 =	sshrl.u32 s3, $0x3;
	s9 =	sshrl.u32 s9, $0x3  }
0x10: {  	s16 =	sshll.u32 s16, $0x10;
	s13 =	sadd.s32 s5, s10;
	s9 =	sadd.s32 s2, s9  }
0x11: {  	s6 =	ssub.s32 s16, s6;
	[dreg:$0x7] =	wrdreg s13;
	s14 =	sadd.s32 $0x2000, s9  }
0x12: {  	s16 =	simm.s32 $0x3;
	s17 =	sadd.s32 $0x4000, s9;
	[dreg:$0x8] =	wrdreg s14  }
0x13: {  	s5 =	simm.s32 $0x1;
	s18 =	sadd.s32 $0x6000, s9;
	[dreg:$0x9] =	wrdreg s17  }
0x14: {  	s6 =	sadd.s32 s6, s15;
	s19 =	sadd.s32 $0x8000, s9;
	[dreg:$0xa] =	wrdreg s18  }
0x15: {  	s20 =	sadd.s32 $0xA000, s9;
	[dreg:$0xb] =	wrdreg s19;
	s17 =	ssub.s32 s22, s24  }
0x16: {  	s21 =	sadd.s32 $0xC000, s9;
	[dreg:$0xc] =	wrdreg s20;
	s31 =	smax.u32 s17, $0x1  }
0x17: {  	s23 =	sadd.s32 $0xE000, s9;
	[dreg:$0xd] =	wrdreg s21;
	s20 =	sadd.s32 $0xFFFFFFFF, s31  }
0x18: {  	s25 =	sadd.s32 $0x10000, s9;
	[dreg:$0xe] =	wrdreg s23;
	p2 =	sne.s32 s20, $0x0  }
.Ltmp0:
0x19: {  	s26 =	sadd.s32 $0x12000, s9;
	[dreg:$0xf] =	wrdreg s25;
	(pc) =	sbr.rel @!p2 .LBB2_1-.Ltmp0, $4  }
0x1a: {  	s15 =	sshrl.u32 @!p0 s15, $0x3;
	s28 =	sadd.s32 $0x14000, s9;
	[dreg:$0x10] =	wrdreg s26  }
0x1b: {  	s29 =	sadd.s32 $0x16000, s9;
	s12 =	sadd.s32 $0x18000, s9;
	[dreg:$0x11] =	wrdreg s28  }
0x1c: {  	s13 =	sadd.s32 $0x1A000, s9;
	s10 =	sadd.s32 $0x1E000, s9;
	[dreg:$0x12] =	wrdreg s29  }
0x1d: {  	s14 =	sadd.s32 $0x1C000, s9;
	s21 =	rddreg [dreg:$0x7];
	s17 =	simm.s32 $0x10000  }
0x1e: {  	[tilespmem:s8], [sflag:$0x3] =	stream.linear.gather [hbm4b:s21+s8], $0x10000, $0x38;
	[tilespmem:$0x14080] =	vst v63  }
0x1f: {  	_ =	swait.ge [sflag:s16], $0x10000  }
0x20: {  	[sflag:s16] =	ssyncset.done $0x0  }
0x21: {  	s18 =	rddreg [dreg:$0x6];
	[sflag:s16] =	ssyncadd.s32 $0xFFFF0000  }
0x22: {  	[tilespmem:s17], [sflag:$0x3] =	stream.linear.gather [hbm4b:s18+s8], $0x80, $0x38;
	[tilespmem:$0x14080] =	vst v63  }
0x23: {  	_ =	swait.ge [sflag:s16], $0x80  }
0x24: {  	[sflag:s16] =	ssyncset.done $0x0  }
0x25: {  	[sflag:s16] =	ssyncadd.s32 $0xFFFFFF80  }
0x26: {  	[hbm4b:s9+s8] =	stream.linear.scatter [tilespmem:s8], [sflag:$0x1], $0x10000, $0x38;
	[tilespmem:$0x14080] =	vst v63  }
0x27: {  	s21 =	rddreg [dreg:$0x8]  }
0x28: {  	[hbm4b:s21+s8] =	stream.linear.scatter [tilespmem:s8], [sflag:$0x1], $0x10000, $0x38;
	[tilespmem:$0x14080] =	vst v63  }
0x29: {  	s19 =	rddreg [dreg:$0x9]  }
0x2a: {  	[hbm4b:s19+s8] =	stream.linear.scatter [tilespmem:s8], [sflag:$0x1], $0x10000, $0x38;
	[tilespmem:$0x14080] =	vst v63  }
0x2b: {  	s22 =	rddreg [dreg:$0xa]  }
0x2c: {  	[hbm4b:s22+s8] =	stream.linear.scatter [tilespmem:s8], [sflag:$0x1], $0x10000, $0x38;
	[tilespmem:$0x14080] =	vst v63  }
0x2d: {  	s23 =	rddreg [dreg:$0xb]  }
0x2e: {  	[hbm4b:s23+s8] =	stream.linear.scatter [tilespmem:s8], [sflag:$0x1], $0x10000, $0x38;
	[tilespmem:$0x14080] =	vst v63  }
0x2f: {  	s24 =	rddreg [dreg:$0xc]  }
0x30: {  	[hbm4b:s24+s8] =	stream.linear.scatter [tilespmem:s8], [sflag:$0x1], $0x10000, $0x38;
	[tilespmem:$0x14080] =	vst v63  }
0x31: {  	s25 =	rddreg [dreg:$0xd]  }
0x32: {  	[hbm4b:s25+s8] =	stream.linear.scatter [tilespmem:s8], [sflag:$0x1], $0x10000, $0x38;
	[tilespmem:$0x14080] =	vst v63  }
0x33: {  	s26 =	rddreg [dreg:$0xe]  }
0x34: {  	[hbm4b:s26+s8] =	stream.linear.scatter [tilespmem:s8], [sflag:$0x1], $0x10000, $0x38;
	[tilespmem:$0x14080] =	vst v63  }
0x35: {  	s28 =	rddreg [dreg:$0xf]  }
0x36: {  	[hbm4b:s28+s8] =	stream.linear.scatter [tilespmem:s8], [sflag:$0x1], $0x10000, $0x38;
	[tilespmem:$0x14080] =	vst v63  }
0x37: {  	s29 =	rddreg [dreg:$0x10]  }
0x38: {  	[hbm4b:s29+s8] =	stream.linear.scatter [tilespmem:s8], [sflag:$0x1], $0x10000, $0x38;
	[tilespmem:$0x14080] =	vst v63  }
0x39: {  	s30 =	rddreg [dreg:$0x11]  }
0x3a: {  	[hbm4b:s30+s8] =	stream.linear.scatter [tilespmem:s8], [sflag:$0x1], $0x10000, $0x38;
	[tilespmem:$0x14080] =	vst v63  }
0x3b: {  	s31 =	rddreg [dreg:$0x12]  }
0x3c: {  	[hbm4b:s31+s8] =	stream.linear.scatter [tilespmem:s8], [sflag:$0x1], $0x10000, $0x38;
	[tilespmem:$0x14080] =	vst v63  }
0x3d: {  	_ = 	snop  }
0x3e: {  	[hbm4b:s12+s8] =	stream.linear.scatter [tilespmem:s8], [sflag:$0x1], $0x10000, $0x38;
	[tilespmem:$0x14080] =	vst v63  }
0x3f: {  	_ = 	snop  }
0x40: {  	[hbm4b:s13+s8] =	stream.linear.scatter [tilespmem:s8], [sflag:$0x1], $0x10000, $0x38;
	[tilespmem:$0x14080] =	vst v63  }
0x41: {  	_ = 	snop  }
0x42: {  	[hbm4b:s14+s8] =	stream.linear.scatter [tilespmem:s8], [sflag:$0x1], $0x10000, $0x38;
	[tilespmem:$0x14080] =	vst v63  }
0x43: {  	s18 =	simm.s32 @!p0 $0x1C03;
	s19 =	simm.s32 @!p0 $0x3  }
0x44: {  	[hbm4b:s10+s8] =	stream.linear.scatter [tilespmem:s8], [sflag:$0x1], $0x10000, $0x38;
	[tilespmem:$0x14080] =	vst v63  }
0x45: {  	[spmem:s15], [sflag:s18] =	dma.local @!p0 [hbm:s11], $0x8000  }
0x46: {  	_ =	swait.ge @!p0 [sflag:s19], $0x8000  }
0x47: {  	[sflag:s19] =	ssyncset.done @!p0 $0x0  }
0x48: {  	[sflag:s19] =	ssyncadd.s32 @!p0 $0xFFFF8000  }
0x49: {  	[bflag:$0x0] =	sbarrier.arrive $0xFFFF  }
0x4a: {  	_ =	swait.ge [sflag:s5], $0x10000  }
0x4b: {  	[sflag:s5] =	ssyncset.done $0x0  }
0x4c: {  	[sflag:s5] =	ssyncadd.s32 $0xFFFF0000  }
0x4d: {  	_ =	swait.ge [sflag:s5], $0x10000  }
0x4e: {  	[sflag:s5] =	ssyncset.done $0x0  }
0x4f: {  	[sflag:s5] =	ssyncadd.s32 $0xFFFF0000  }
0x50: {  	_ =	swait.ge [sflag:s5], $0x10000  }
0x51: {  	[sflag:s5] =	ssyncset.done $0x0  }
0x52: {  	[sflag:s5] =	ssyncadd.s32 $0xFFFF0000  }
0x53: {  	_ =	swait.ge [sflag:s5], $0x10000  }
0x54: {  	[sflag:s5] =	ssyncset.done $0x0  }
0x55: {  	[sflag:s5] =	ssyncadd.s32 $0xFFFF0000  }
0x56: {  	_ =	swait.ge [sflag:s5], $0x10000  }
0x57: {  	[sflag:s5] =	ssyncset.done $0x0  }
0x58: {  	[sflag:s5] =	ssyncadd.s32 $0xFFFF0000  }
0x59: {  	_ =	swait.ge [sflag:s5], $0x10000  }
0x5a: {  	[sflag:s5] =	ssyncset.done $0x0  }
0x5b: {  	[sflag:s5] =	ssyncadd.s32 $0xFFFF0000  }
0x5c: {  	_ =	swait.ge [sflag:s5], $0x10000  }
0x5d: {  	[sflag:s5] =	ssyncset.done $0x0  }
0x5e: {  	[sflag:s5] =	ssyncadd.s32 $0xFFFF0000  }
0x5f: {  	_ =	swait.ge [sflag:s5], $0x10000  }
0x60: {  	[sflag:s5] =	ssyncset.done $0x0  }
0x61: {  	[sflag:s5] =	ssyncadd.s32 $0xFFFF0000  }
0x62: {  	_ =	swait.ge [sflag:s5], $0x10000  }
0x63: {  	[sflag:s5] =	ssyncset.done $0x0  }
0x64: {  	[sflag:s5] =	ssyncadd.s32 $0xFFFF0000  }
0x65: {  	_ =	swait.ge [sflag:s5], $0x10000  }
0x66: {  	[sflag:s5] =	ssyncset.done $0x0  }
0x67: {  	[sflag:s5] =	ssyncadd.s32 $0xFFFF0000  }
0x68: {  	_ =	swait.ge [sflag:s5], $0x10000  }
0x69: {  	[sflag:s5] =	ssyncset.done $0x0  }
0x6a: {  	[sflag:s5] =	ssyncadd.s32 $0xFFFF0000  }
0x6b: {  	_ =	swait.ge [sflag:s5], $0x10000  }
0x6c: {  	[sflag:s5] =	ssyncset.done $0x0  }
0x6d: {  	[sflag:s5] =	ssyncadd.s32 $0xFFFF0000  }
0x6e: {  	_ =	swait.ge [sflag:s5], $0x10000  }
0x6f: {  	[sflag:s5] =	ssyncset.done $0x0  }
0x70: {  	[sflag:s5] =	ssyncadd.s32 $0xFFFF0000  }
0x71: {  	_ =	swait.ge [sflag:s5], $0x10000  }
0x72: {  	[sflag:s5] =	ssyncset.done $0x0  }
0x73: {  	[sflag:s5] =	ssyncadd.s32 $0xFFFF0000  }
0x74: {  	_ =	swait.ge [sflag:s5], $0x10000  }
0x75: {  	[sflag:s5] =	ssyncset.done $0x0  }
0x76: {  	[sflag:s5] =	ssyncadd.s32 $0xFFFF0000  }
0x77: {  	_ =	swait.ge [sflag:s5], $0x10000  }
0x78: {  	[sflag:s5] =	ssyncset.done $0x0  }
0x79: {  	[sflag:s5] =	ssyncadd.s32 $0xFFFF0000  }
0x7a: {  	v0 =	vld [tilespmem:$0x10000];
	_ =	sdelay $0x4  }
0x7b: {  	(v2sf) =	vpush v0, $0x0;
	_ =	sdelay $0xe  }
0x7c: {  	s21 =	spop (v2sf)  }
0x7d: {  	p1 =	sgt.s32 s21, $0x0  }
0x7e: {  	s21 =	simm.s32 @!p1 $0x0  }
0x7f: {  	s22 =	smin.u32 s21, $0x7E0;
	p1 =	slt.u32 s21, s4  }
0x80: {  	p2 =	sgt.u32 @!p1 s22, s7  }
0x81: {  	p3 =	por p2, p1  }
0x82: {  	s20 =	sadd.s32 $0xFFFFFFFF, s20;
	s21 =	sshll.u32 @!p3 s22, $0xB  }
0x83: {  	p2 =	sne.s32 s20, $0x0;
	s22 =	sshll.u32 @!p3 s0, $0x6;
	s21 =	sor.u32 @!p3 s3, s21  }
.Ltmp1:
0x84: {  	s24 =	sshrl.u32 @!p3 s6, $0x3;
	s21 =	sshrl.u32 @!p3 s21, $0x3;
	(pc) =	sbr.rel @!p2 .LBB2_4-.Ltmp1, $4  }
0x85: {  	s23 =	sor.u32 @!p3 $0x1C02, s22;
	s22 =	simm.s32 @!p3 $0x2;
	s21 =	sadd.s32 @!p3 s2, s21  }
0x86: {  	[hbm:s21], [sflag:s23] =	dma.local @!p3 [spmem:s24], $0x2000  }
0x87: {  	_ =	swait.ge @!p3 [sflag:s22], $0x2000  }
0x88: {  	p1 =	por $0x1, $0x1;
	s21 =	rddreg [dreg:$0x7];
	[sflag:s22] =	ssyncset.done @!p3 $0x0  }
.LBB2_3:
0x89: {  	[sflag:s22] =	ssyncadd.s32 @!p3 $0xFFFFE000  }
0x8a: {  	[tilespmem:s8], [sflag:$0x3] =	stream.linear.gather [hbm4b:s21+s8], $0x10000, $0x38;
	[tilespmem:$0x14080] =	vst v63  }
0x8b: {  	_ =	swait.ge [sflag:s16], $0x10000  }
0x8c: {  	[sflag:s16] =	ssyncset.done $0x0  }
0x8d: {  	s28 =	rddreg [dreg:$0x6];
	[sflag:s16] =	ssyncadd.s32 $0xFFFF0000  }
0x8e: {  	[tilespmem:s17], [sflag:$0x3] =	stream.linear.gather [hbm4b:s28+s8], $0x80, $0x38;
	[tilespmem:$0x14080] =	vst v63  }
0x8f: {  	_ =	swait.ge [sflag:s16], $0x80  }
0x90: {  	[sflag:s16] =	ssyncset.done $0x0  }
0x91: {  	[sflag:s16] =	ssyncadd.s32 $0xFFFFFF80  }
0x92: {  	[hbm4b:s9+s8] =	stream.linear.scatter [tilespmem:s8], [sflag:$0x1], $0x10000, $0x38;
	[tilespmem:$0x14080] =	vst v63  }
0x93: {  	s29 =	rddreg [dreg:$0x8]  }
0x94: {  	[hbm4b:s29+s8] =	stream.linear.scatter [tilespmem:s8], [sflag:$0x1], $0x10000, $0x38;
	[tilespmem:$0x14080] =	vst v63  }
0x95: {  	s30 =	rddreg [dreg:$0x9]  }
0x96: {  	[hbm4b:s30+s8] =	stream.linear.scatter [tilespmem:s8], [sflag:$0x1], $0x10000, $0x38;
	[tilespmem:$0x14080] =	vst v63  }
0x97: {  	s31 =	rddreg [dreg:$0xa]  }
0x98: {  	[hbm4b:s31+s8] =	stream.linear.scatter [tilespmem:s8], [sflag:$0x1], $0x10000, $0x38;
	[tilespmem:$0x14080] =	vst v63  }
0x99: {  	s23 =	rddreg [dreg:$0xb]  }
0x9a: {  	[hbm4b:s23+s8] =	stream.linear.scatter [tilespmem:s8], [sflag:$0x1], $0x10000, $0x38;
	[tilespmem:$0x14080] =	vst v63  }
0x9b: {  	s24 =	rddreg [dreg:$0xc]  }
0x9c: {  	[hbm4b:s24+s8] =	stream.linear.scatter [tilespmem:s8], [sflag:$0x1], $0x10000, $0x38;
	[tilespmem:$0x14080] =	vst v63  }
0x9d: {  	s25 =	rddreg [dreg:$0xd]  }
0x9e: {  	[hbm4b:s25+s8] =	stream.linear.scatter [tilespmem:s8], [sflag:$0x1], $0x10000, $0x38;
	[tilespmem:$0x14080] =	vst v63  }
0x9f: {  	s26 =	rddreg [dreg:$0xe]  }
0xa0: {  	[hbm4b:s26+s8] =	stream.linear.scatter [tilespmem:s8], [sflag:$0x1], $0x10000, $0x38;
	[tilespmem:$0x14080] =	vst v63  }
0xa1: {  	s28 =	rddreg [dreg:$0xf]  }
0xa2: {  	[hbm4b:s28+s8] =	stream.linear.scatter [tilespmem:s8], [sflag:$0x1], $0x10000, $0x38;
	[tilespmem:$0x14080] =	vst v63  }
0xa3: {  	s29 =	rddreg [dreg:$0x10]  }
0xa4: {  	[hbm4b:s29+s8] =	stream.linear.scatter [tilespmem:s8], [sflag:$0x1], $0x10000, $0x38;
	[tilespmem:$0x14080] =	vst v63  }
0xa5: {  	s30 =	rddreg [dreg:$0x11]  }
0xa6: {  	[hbm4b:s30+s8] =	stream.linear.scatter [tilespmem:s8], [sflag:$0x1], $0x10000, $0x38;
	[tilespmem:$0x14080] =	vst v63  }
0xa7: {  	s31 =	rddreg [dreg:$0x12]  }
0xa8: {  	[hbm4b:s31+s8] =	stream.linear.scatter [tilespmem:s8], [sflag:$0x1], $0x10000, $0x38;
	[tilespmem:$0x14080] =	vst v63  }
0xa9: {  	_ = 	snop  }
0xaa: {  	[hbm4b:s12+s8] =	stream.linear.scatter [tilespmem:s8], [sflag:$0x1], $0x10000, $0x38;
	[tilespmem:$0x14080] =	vst v63  }
0xab: {  	_ = 	snop  }
0xac: {  	[hbm4b:s13+s8] =	stream.linear.scatter [tilespmem:s8], [sflag:$0x1], $0x10000, $0x38;
	[tilespmem:$0x14080] =	vst v63  }
0xad: {  	_ = 	snop  }
0xae: {  	[hbm4b:s14+s8] =	stream.linear.scatter [tilespmem:s8], [sflag:$0x1], $0x10000, $0x38;
	[tilespmem:$0x14080] =	vst v63  }
0xaf: {  	_ = 	snop  }
0xb0: {  	[hbm4b:s10+s8] =	stream.linear.scatter [tilespmem:s8], [sflag:$0x1], $0x10000, $0x38;
	[tilespmem:$0x14080] =	vst v63  }
0xb1: {  	[spmem:s15], [sflag:s18] =	dma.local @!p0 [hbm:s11], $0x8000  }
0xb2: {  	_ =	swait.ge @!p0 [sflag:s19], $0x8000  }
0xb3: {  	[sflag:s19] =	ssyncset.done @!p0 $0x0  }
0xb4: {  	[sflag:s19] =	ssyncadd.s32 @!p0 $0xFFFF8000  }
0xb5: {  	[bflag:$0x0] =	sbarrier.arrive $0xFFFF  }
0xb6: {  	_ =	swait.ge [sflag:s5], $0x10000  }
0xb7: {  	[sflag:s5] =	ssyncset.done $0x0  }
0xb8: {  	[sflag:s5] =	ssyncadd.s32 $0xFFFF0000  }
0xb9: {  	_ =	swait.ge [sflag:s5], $0x10000  }
0xba: {  	[sflag:s5] =	ssyncset.done $0x0  }
0xbb: {  	[sflag:s5] =	ssyncadd.s32 $0xFFFF0000  }
0xbc: {  	_ =	swait.ge [sflag:s5], $0x10000  }
0xbd: {  	[sflag:s5] =	ssyncset.done $0x0  }
0xbe: {  	[sflag:s5] =	ssyncadd.s32 $0xFFFF0000  }
0xbf: {  	_ =	swait.ge [sflag:s5], $0x10000  }
0xc0: {  	[sflag:s5] =	ssyncset.done $0x0  }
0xc1: {  	[sflag:s5] =	ssyncadd.s32 $0xFFFF0000  }
0xc2: {  	_ =	swait.ge [sflag:s5], $0x10000  }
0xc3: {  	[sflag:s5] =	ssyncset.done $0x0  }
0xc4: {  	[sflag:s5] =	ssyncadd.s32 $0xFFFF0000  }
0xc5: {  	_ =	swait.ge [sflag:s5], $0x10000  }
0xc6: {  	[sflag:s5] =	ssyncset.done $0x0  }
0xc7: {  	[sflag:s5] =	ssyncadd.s32 $0xFFFF0000  }
0xc8: {  	_ =	swait.ge [sflag:s5], $0x10000  }
0xc9: {  	[sflag:s5] =	ssyncset.done $0x0  }
0xca: {  	[sflag:s5] =	ssyncadd.s32 $0xFFFF0000  }
0xcb: {  	_ =	swait.ge [sflag:s5], $0x10000  }
0xcc: {  	[sflag:s5] =	ssyncset.done $0x0  }
0xcd: {  	[sflag:s5] =	ssyncadd.s32 $0xFFFF0000  }
0xce: {  	_ =	swait.ge [sflag:s5], $0x10000  }
0xcf: {  	[sflag:s5] =	ssyncset.done $0x0  }
0xd0: {  	[sflag:s5] =	ssyncadd.s32 $0xFFFF0000  }
0xd1: {  	_ =	swait.ge [sflag:s5], $0x10000  }
0xd2: {  	[sflag:s5] =	ssyncset.done $0x0  }
0xd3: {  	[sflag:s5] =	ssyncadd.s32 $0xFFFF0000  }
0xd4: {  	_ =	swait.ge [sflag:s5], $0x10000  }
0xd5: {  	[sflag:s5] =	ssyncset.done $0x0  }
0xd6: {  	[sflag:s5] =	ssyncadd.s32 $0xFFFF0000  }
0xd7: {  	_ =	swait.ge [sflag:s5], $0x10000  }
0xd8: {  	[sflag:s5] =	ssyncset.done $0x0  }
0xd9: {  	[sflag:s5] =	ssyncadd.s32 $0xFFFF0000  }
0xda: {  	_ =	swait.ge [sflag:s5], $0x10000  }
0xdb: {  	[sflag:s5] =	ssyncset.done $0x0  }
0xdc: {  	[sflag:s5] =	ssyncadd.s32 $0xFFFF0000  }
0xdd: {  	_ =	swait.ge [sflag:s5], $0x10000  }
0xde: {  	[sflag:s5] =	ssyncset.done $0x0  }
0xdf: {  	[sflag:s5] =	ssyncadd.s32 $0xFFFF0000  }
0xe0: {  	_ =	swait.ge [sflag:s5], $0x10000  }
0xe1: {  	[sflag:s5] =	ssyncset.done $0x0  }
0xe2: {  	[sflag:s5] =	ssyncadd.s32 $0xFFFF0000  }
0xe3: {  	_ =	swait.ge [sflag:s5], $0x10000  }
0xe4: {  	[sflag:s5] =	ssyncset.done $0x0  }
0xe5: {  	[sflag:s5] =	ssyncadd.s32 $0xFFFF0000  }
0xe6: {  	v0 =	vld [tilespmem:$0x10000];
	_ =	sdelay $0x4  }
0xe7: {  	(v2sf) =	vpush v0, $0x0;
	_ =	sdelay $0xe  }
0xe8: {  	s21 =	spop (v2sf)  }
0xe9: {  	p3 =	sgt.s32 s21, $0x0  }
0xea: {  	s21 =	simm.s32 @!p3 $0x0  }
0xeb: {  	s22 =	smin.u32 s21, $0x7E0;
	p3 =	slt.u32 s21, s4  }
0xec: {  	p4 =	sgt.u32 @!p3 s22, s7  }
0xed: {  	p3 =	por p4, p3  }
0xee: {  	s20 =	sadd.s32 $0xFFFFFFFF, s20;
	s21 =	sshll.u32 @!p3 s22, $0xB  }
0xef: {  	p2 =	sne.s32 s20, $0x0;
	s22 =	sshll.u32 @!p3 s0, $0x6;
	s21 =	sor.u32 @!p3 s3, s21  }
.Ltmp2:
0xf0: {  	s24 =	sshrl.u32 @!p3 s6, $0x3;
	s21 =	sshrl.u32 @!p3 s21, $0x3;
	(pc) =	sbr.rel @p2 .LBB2_3-.Ltmp2, $4  }
0xf1: {  	s23 =	sor.u32 @!p3 $0x1C02, s22;
	s22 =	simm.s32 @!p3 $0x2;
	s21 =	sadd.s32 @!p3 s2, s21  }
0xf2: {  	[hbm:s21], [sflag:s23] =	dma.local @!p3 [spmem:s24], $0x2000  }
0xf3: {  	_ =	swait.ge @!p3 [sflag:s22], $0x2000  }
0xf4: {  	s21 =	rddreg [dreg:$0x7];
	[sflag:s22] =	ssyncset.done @!p3 $0x0  }
.LBB2_4:
0xf5: {  	p1 =	por p3, !p1  }
0xf6: {  	[sflag:s22] =	ssyncadd.s32 @!p1 $0xFFFFE000  }
0xf7: {  	[tilespmem:s8], [sflag:$0x3] =	stream.linear.gather [hbm4b:s21+s8], $0x10000, $0x38;
	[tilespmem:$0x14080] =	vst v63  }
0xf8: {  	_ =	swait.ge [sflag:s16], $0x10000  }
0xf9: {  	[sflag:s16] =	ssyncset.done $0x0  }
0xfa: {  	s18 =	rddreg [dreg:$0x6];
	[sflag:s16] =	ssyncadd.s32 $0xFFFF0000  }
0xfb: {  	[tilespmem:s17], [sflag:$0x3] =	stream.linear.gather [hbm4b:s18+s8], $0x80, $0x38;
	[tilespmem:$0x14080] =	vst v63  }
0xfc: {  	_ =	swait.ge [sflag:s16], $0x80  }
0xfd: {  	[sflag:s16] =	ssyncset.done $0x0  }
0xfe: {  	[sflag:s16] =	ssyncadd.s32 $0xFFFFFF80  }
0xff: {  	[hbm4b:s9+s8] =	stream.linear.scatter [tilespmem:s8], [sflag:$0x1], $0x10000, $0x38;
	[tilespmem:$0x14080] =	vst v63  }
0x100: {  	s20 =	rddreg [dreg:$0x8]  }
0x101: {  	[hbm4b:s20+s8] =	stream.linear.scatter [tilespmem:s8], [sflag:$0x1], $0x10000, $0x38;
	[tilespmem:$0x14080] =	vst v63  }
0x102: {  	s21 =	rddreg [dreg:$0x9]  }
0x103: {  	[hbm4b:s21+s8] =	stream.linear.scatter [tilespmem:s8], [sflag:$0x1], $0x10000, $0x38;
	[tilespmem:$0x14080] =	vst v63  }
0x104: {  	s22 =	rddreg [dreg:$0xa]  }
0x105: {  	[hbm4b:s22+s8] =	stream.linear.scatter [tilespmem:s8], [sflag:$0x1], $0x10000, $0x38;
	[tilespmem:$0x14080] =	vst v63  }
0x106: {  	s23 =	rddreg [dreg:$0xb]  }
0x107: {  	[hbm4b:s23+s8] =	stream.linear.scatter [tilespmem:s8], [sflag:$0x1], $0x10000, $0x38;
	[tilespmem:$0x14080] =	vst v63  }
0x108: {  	s24 =	rddreg [dreg:$0xc]  }
0x109: {  	[hbm4b:s24+s8] =	stream.linear.scatter [tilespmem:s8], [sflag:$0x1], $0x10000, $0x38;
	[tilespmem:$0x14080] =	vst v63  }
0x10a: {  	s25 =	rddreg [dreg:$0xd]  }
0x10b: {  	[hbm4b:s25+s8] =	stream.linear.scatter [tilespmem:s8], [sflag:$0x1], $0x10000, $0x38;
	[tilespmem:$0x14080] =	vst v63  }
0x10c: {  	s26 =	rddreg [dreg:$0xe]  }
0x10d: {  	[hbm4b:s26+s8] =	stream.linear.scatter [tilespmem:s8], [sflag:$0x1], $0x10000, $0x38;
	[tilespmem:$0x14080] =	vst v63  }
0x10e: {  	s28 =	rddreg [dreg:$0xf]  }
0x10f: {  	[hbm4b:s28+s8] =	stream.linear.scatter [tilespmem:s8], [sflag:$0x1], $0x10000, $0x38;
	[tilespmem:$0x14080] =	vst v63  }
0x110: {  	s29 =	rddreg [dreg:$0x10]  }
0x111: {  	[hbm4b:s29+s8] =	stream.linear.scatter [tilespmem:s8], [sflag:$0x1], $0x10000, $0x38;
	[tilespmem:$0x14080] =	vst v63  }
0x112: {  	s30 =	rddreg [dreg:$0x11]  }
0x113: {  	[hbm4b:s30+s8] =	stream.linear.scatter [tilespmem:s8], [sflag:$0x1], $0x10000, $0x38;
	[tilespmem:$0x14080] =	vst v63  }
0x114: {  	s31 =	rddreg [dreg:$0x12]  }
0x115: {  	[hbm4b:s31+s8] =	stream.linear.scatter [tilespmem:s8], [sflag:$0x1], $0x10000, $0x38;
	[tilespmem:$0x14080] =	vst v63  }
0x116: {  	_ = 	snop  }
0x117: {  	[hbm4b:s12+s8] =	stream.linear.scatter [tilespmem:s8], [sflag:$0x1], $0x10000, $0x38;
	[tilespmem:$0x14080] =	vst v63  }
0x118: {  	_ = 	snop  }
0x119: {  	[hbm4b:s13+s8] =	stream.linear.scatter [tilespmem:s8], [sflag:$0x1], $0x10000, $0x38;
	[tilespmem:$0x14080] =	vst v63  }
0x11a: {  	_ = 	snop  }
0x11b: {  	[hbm4b:s14+s8] =	stream.linear.scatter [tilespmem:s8], [sflag:$0x1], $0x10000, $0x38;
	[tilespmem:$0x14080] =	vst v63  }
0x11c: {  	s9 =	simm.s32 @!p0 $0x1C03;
	s12 =	simm.s32 @!p0 $0x3  }
0x11d: {  	[hbm4b:s10+s8] =	stream.linear.scatter [tilespmem:s8], [sflag:$0x1], $0x10000, $0x38;
	[tilespmem:$0x14080] =	vst v63  }
0x11e: {  	[spmem:s15], [sflag:s9] =	dma.local @!p0 [hbm:s11], $0x8000  }
0x11f: {  	_ =	swait.ge @!p0 [sflag:s12], $0x8000  }
0x120: {  	[sflag:s12] =	ssyncset.done @!p0 $0x0  }
0x121: {  	[sflag:s12] =	ssyncadd.s32 @!p0 $0xFFFF8000  }
0x122: {  	[bflag:$0x0] =	sbarrier.arrive $0xFFFF  }
0x123: {  	_ =	swait.ge [sflag:s5], $0x10000  }
0x124: {  	[sflag:s5] =	ssyncset.done $0x0  }
0x125: {  	[sflag:s5] =	ssyncadd.s32 $0xFFFF0000  }
0x126: {  	_ =	swait.ge [sflag:s5], $0x10000  }
0x127: {  	[sflag:s5] =	ssyncset.done $0x0  }
0x128: {  	[sflag:s5] =	ssyncadd.s32 $0xFFFF0000  }
0x129: {  	_ =	swait.ge [sflag:s5], $0x10000  }
0x12a: {  	[sflag:s5] =	ssyncset.done $0x0  }
0x12b: {  	[sflag:s5] =	ssyncadd.s32 $0xFFFF0000  }
0x12c: {  	_ =	swait.ge [sflag:s5], $0x10000  }
0x12d: {  	[sflag:s5] =	ssyncset.done $0x0  }
0x12e: {  	[sflag:s5] =	ssyncadd.s32 $0xFFFF0000  }
0x12f: {  	_ =	swait.ge [sflag:s5], $0x10000  }
0x130: {  	[sflag:s5] =	ssyncset.done $0x0  }
0x131: {  	[sflag:s5] =	ssyncadd.s32 $0xFFFF0000  }
0x132: {  	_ =	swait.ge [sflag:s5], $0x10000  }
0x133: {  	[sflag:s5] =	ssyncset.done $0x0  }
0x134: {  	[sflag:s5] =	ssyncadd.s32 $0xFFFF0000  }
0x135: {  	_ =	swait.ge [sflag:s5], $0x10000  }
0x136: {  	[sflag:s5] =	ssyncset.done $0x0  }
0x137: {  	[sflag:s5] =	ssyncadd.s32 $0xFFFF0000  }
0x138: {  	_ =	swait.ge [sflag:s5], $0x10000  }
0x139: {  	[sflag:s5] =	ssyncset.done $0x0  }
0x13a: {  	[sflag:s5] =	ssyncadd.s32 $0xFFFF0000  }
0x13b: {  	_ =	swait.ge [sflag:s5], $0x10000  }
0x13c: {  	[sflag:s5] =	ssyncset.done $0x0  }
0x13d: {  	[sflag:s5] =	ssyncadd.s32 $0xFFFF0000  }
0x13e: {  	_ =	swait.ge [sflag:s5], $0x10000  }
0x13f: {  	[sflag:s5] =	ssyncset.done $0x0  }
0x140: {  	[sflag:s5] =	ssyncadd.s32 $0xFFFF0000  }
0x141: {  	_ =	swait.ge [sflag:s5], $0x10000  }
0x142: {  	[sflag:s5] =	ssyncset.done $0x0  }
0x143: {  	[sflag:s5] =	ssyncadd.s32 $0xFFFF0000  }
0x144: {  	_ =	swait.ge [sflag:s5], $0x10000  }
0x145: {  	[sflag:s5] =	ssyncset.done $0x0  }
0x146: {  	[sflag:s5] =	ssyncadd.s32 $0xFFFF0000  }
0x147: {  	_ =	swait.ge [sflag:s5], $0x10000  }
0x148: {  	[sflag:s5] =	ssyncset.done $0x0  }
0x149: {  	[sflag:s5] =	ssyncadd.s32 $0xFFFF0000  }
0x14a: {  	_ =	swait.ge [sflag:s5], $0x10000  }
0x14b: {  	[sflag:s5] =	ssyncset.done $0x0  }
0x14c: {  	[sflag:s5] =	ssyncadd.s32 $0xFFFF0000  }
0x14d: {  	_ =	swait.ge [sflag:s5], $0x10000  }
0x14e: {  	[sflag:s5] =	ssyncset.done $0x0  }
0x14f: {  	[sflag:s5] =	ssyncadd.s32 $0xFFFF0000  }
0x150: {  	_ =	swait.ge [sflag:s5], $0x10000  }
0x151: {  	[sflag:s5] =	ssyncset.done $0x0  }
0x152: {  	[sflag:s5] =	ssyncadd.s32 $0xFFFF0000  }
0x153: {  	v0 =	vld [tilespmem:$0x10000];
	_ =	sdelay $0x4  }
0x154: {  	(v2sf) =	vpush v0, $0x0;
	_ =	sdelay $0xe  }
0x155: {  	s5 =	spop (v2sf)  }
0x156: {  	p1 =	sgt.s32 s5, $0x0  }
0x157: {  	s5 =	simm.s32 @!p1 $0x0  }
0x158: {  	s8 =	smin.u32 s5, $0x7E0;
	p1 =	slt.u32 s5, s4  }
0x159: {  	p2 =	sgt.u32 @!p1 s8, s7  }
0x15a: {  	p1 =	por p2, p1  }
0x15b: {  	s4 =	sshll.u32 @!p1 s8, $0xB  }
0x15c: {  	s0 =	sshll.u32 @!p1 s0, $0x6;
	s3 =	sor.u32 @!p1 s3, s4  }
0x15d: {  	s0 =	sor.u32 @!p1 $0x1C02, s0;
	s3 =	sshrl.u32 @!p1 s3, $0x3  }
0x15e: {  	s4 =	simm.s32 @!p1 $0x2;
	s2 =	sadd.s32 @!p1 s2, s3;
	s3 =	sshrl.u32 @!p1 s6, $0x3  }
0x15f: {  	[hbm:s2], [sflag:s0] =	dma.local @!p1 [spmem:s3], $0x2000  }
0x160: {  	_ =	swait.ge @!p1 [sflag:s4], $0x2000  }
0x161: {  	[sflag:s4] =	ssyncset.done @!p1 $0x0  }
0x162: {  	[sflag:s4] =	ssyncadd.s32 @!p1 $0xFFFFE000  }
0x163: {  	_ =	sfence.sel $0x180000  }
0x164: {  	[bflag:$0x0] =	sbarrier.arrive $0xFFFF  }
0x165: {  	_ =	strace $0x90000047  }
0x166: {  	s0 =	sadd.s32 @!p0 $0x100000, s1;
	[bflag:$0x2] =	sbarrier.arrive $0xFFFF  }
0x167: {  	[sflag:s0] =	ssyncadd.tile.s32 @!p0 $0x1;
	_ =	shalt  }
.LBB2_1:
.Ltmp3:
0x168: {  	(pc) =	sbr.rel .LBB2_4-.Ltmp3, $2  }
0x169: {  	_ =	sdelay $0x2  }
0x16a: {  	_ = 	snop  }
.Lfunc_end2:
_tile_overlayer_lowered:
.L_overlay_start_2:
0x16b: {  	(tag) =	ssettag $0x2  }
0x16c: {  	s0 =	rddreg [dreg:$0x0];
	s2 =	stileid.u32  }
0x16d: {  	s1 =	rddreg [dreg:$0x1];
	p0 =	sne.s32 s2, $0x0  }
0x16e: {  	s3 =	rddreg [dreg:$0x2];
	[bflag:$0x3] =	sbarrier.arrive $0xFFFF;
	s2 =	simm.s32 @!p0 $0x1C03  }
0x16f: {  	[timem:s3], [sflag:s2] =	dma.local @!p0 [hbm:s0], s1  }
0x170: {  	s0 =	simm.s32 @!p0 $0x3  }
0x171: {  	_ =	swait.ge @!p0 [sflag:s0], s1  }
0x172: {  	s1 =	ssub.s32 @!p0 $0x0, s1;
	[sflag:s0] =	ssyncset.done @!p0 $0x0  }
0x173: {  	[sflag:s0] =	ssyncadd.s32 @!p0 s1  }
0x174: {  	[bflag:$0x3] =	sbarrier.arrive $0xFFFF  }
0x175: {  	_ =	shalt  }

</sc_bundles>
